<compile_context>
chip_gen: v7x
topology: tpu7x:2x2x1
jax: 0.10.2.dev20260603
libtpu: 0.0.44.dev20260713+nightly
codegen_flags: <defaults>
</compile_context>

<pallas_src>
import jax
import jax.numpy as jnp
from jax import lax
from jax.experimental import pallas as pl
from jax.experimental.pallas import tpu as pltpu
from jax.experimental.pallas import tpu_sc as plsc

NC = 2
NS = 16
NW = NC * NS
CHUNK = 128


def _sc_degree(nw, kch, npad):
    mesh = plsc.VectorSubcoreMesh(
        core_axis_name="c", subcore_axis_name="s", num_cores=NC, num_subcores=NS
    )
    rows_per = npad // NS

    def body(dst_hbm, cnt_hbm, hist, cntv, dstv, dsem):
        c = lax.axis_index("c")
        s = lax.axis_index("s")
        base = s * rows_per
        zeros16 = jnp.zeros((16,), jnp.float32)
        ones16 = jnp.ones((16,), jnp.float32)
        lane = lax.iota(jnp.int32, 16)

        def zstep(i, carry):
            hist[pl.ds(i * 16, 16)] = zeros16
            return carry

        lax.fori_loop(0, NS * rows_per // 16, zstep, 0)

        pltpu.async_copy(dst_hbm.at[c * NS], dstv.at[0], dsem.at[0])

        def wstep(w2, carry):
            bw = w2 % 2
            pltpu.make_async_copy(dst_hbm.at[c * NS + w2], dstv.at[bw], dsem.at[bw]).wait()

            @pl.when(w2 + 1 < NS)
            def _():
                pltpu.async_copy(
                    dst_hbm.at[c * NS + w2 + 1], dstv.at[1 - bw], dsem.at[1 - bw]
                )

            def jstep(j, carry2):
                for l in range(CHUNK // 16):
                    d16 = dstv[bw, j, pl.ds(l * 16, 16)]
                    local = d16 - base
                    mask = local.astype(jnp.uint32) < jnp.uint32(rows_per)
                    addr = lane * rows_per + local
                    plsc.addupdate_scatter(hist, [addr], ones16, mask=mask)
                return carry2

            return lax.fori_loop(0, kch, jstep, carry)

        lax.fori_loop(0, NS, wstep, 0)

        def fstep(i, carry):
            tot = hist[pl.ds(i * 16, 16)]
            for l in range(1, 16):
                tot = tot + hist[pl.ds(l * rows_per + i * 16, 16)]
            cntv[pl.ds(i * 16, 16)] = tot
            return carry

        lax.fori_loop(0, rows_per // 16, fstep, 0)
        pltpu.sync_copy(cntv, cnt_hbm.at[c, pl.ds(base, rows_per)])

    return pl.kernel(
        body,
        out_type=jax.ShapeDtypeStruct((NC, npad), jnp.float32),
        mesh=mesh,
        compiler_params=pltpu.CompilerParams(needs_layout_passes=False),
        scratch_types=[
            pltpu.VMEM((16 * (npad // NS),), jnp.float32),
            pltpu.VMEM((npad // NS,), jnp.float32),
            pltpu.VMEM((2, kch, CHUNK), jnp.int32),
            pltpu.SemaphoreType.DMA((2,)),
        ],
    )


def _sc_aggregate(nw, kch, npad, d):
    mesh = plsc.VectorSubcoreMesh(
        core_axis_name="c", subcore_axis_name="s", num_cores=NC, num_subcores=NS
    )
    rows_per = npad // NS

    nbuf = 2
    kh = kch // 2
    assert kch % (2 * nbuf) == 0

    def body(y_hbm, src_hbm, dst_hbm, z_hbm, acc_hbm, acc_sh, srcv, dstv, rows, gsem):
        c = lax.axis_index("c")
        s = lax.axis_index("s")
        w = c * NS + s
        pltpu.sync_copy(z_hbm, acc_sh.at[pl.ds(s * rows_per, rows_per)])
        plsc.subcore_barrier()

        for p in range(2):
            pltpu.sync_copy(src_hbm.at[w, pl.ds(p * kh, kh)], srcv)
            pltpu.sync_copy(dst_hbm.at[w, pl.ds(p * kh, kh)], dstv)
            for b in range(nbuf):
                pltpu.async_copy(y_hbm.at[srcv.at[b]], rows.at[b], gsem.at[b])

            def step(g, carry):
                for b in range(nbuf):
                    j = g * nbuf + b
                    pltpu.make_async_copy(y_hbm.at[srcv.at[j]], rows.at[b], gsem.at[b]).wait()
                    pltpu.sync_copy(rows.at[b], acc_sh.at[dstv.at[j]], add=True)

                    @pl.when(j + nbuf < kh)
                    def _():
                        pltpu.async_copy(y_hbm.at[srcv.at[j + nbuf]], rows.at[b], gsem.at[b])

                return carry

            lax.fori_loop(0, kh // nbuf, step, 0)
        plsc.subcore_barrier()
        pltpu.sync_copy(
            acc_sh.at[pl.ds(s * rows_per, rows_per)],
            acc_hbm.at[c, pl.ds(s * rows_per, rows_per)],
        )

    return pl.kernel(
        body,
        out_type=jax.ShapeDtypeStruct((NC, npad, d), jnp.float32),
        mesh=mesh,
        scratch_types=[
            pltpu.VMEM_SHARED((npad, d), jnp.float32),
            pltpu.VMEM((kch // 2, CHUNK), jnp.int32),
            pltpu.VMEM((kch // 2, CHUNK), jnp.int32),
            pltpu.VMEM((nbuf, CHUNK, d), jnp.float32),
            pltpu.SemaphoreType.DMA((nbuf,)),
        ],
    )


def _tc_y(npad, d, blk):
    def body(data_ref, w_ref, cnt_ref, y_ref):
        xw = jnp.dot(data_ref[...], w_ref[...], preferred_element_type=jnp.float32)
        cnt = cnt_ref[0, :] + cnt_ref[1, :]
        dinv = lax.rsqrt(1.0 + cnt)
        y_ref[...] = xw * dinv[:, None]

    grid = npad // blk
    return pl.pallas_call(
        body,
        grid=(grid,),
        in_specs=[
            pl.BlockSpec((blk, d), lambda i: (i, 0)),
            pl.BlockSpec((d, d), lambda i: (0, 0)),
            pl.BlockSpec((NC, blk), lambda i: (0, i)),
        ],
        out_specs=pl.BlockSpec((blk, d), lambda i: (i, 0)),
        out_shape=jax.ShapeDtypeStruct((npad, d), jnp.float32),
    )


def _tc_combine(npad, n, d, blk):
    grid = npad // blk

    def body(acc_ref, y_ref, cnt_ref, b_ref, t_ref, ps_ref, pq_ref):
        i = pl.program_id(0)
        cnt = cnt_ref[0, :] + cnt_ref[1, :]
        dinv = lax.rsqrt(1.0 + cnt)
        t = (acc_ref[0] + acc_ref[1] + y_ref[...]) * dinv[:, None] + b_ref[...]
        t = jnp.maximum(t, 0.0)
        t_ref[...] = t
        rowid = lax.broadcasted_iota(jnp.int32, (blk, d), 0) + i * blk
        tm = jnp.where(rowid < n, t, 0.0)
        ps_ref[...] = jnp.broadcast_to(jnp.sum(tm, axis=0)[None, None, :], (1, 8, d))
        pq_ref[...] = jnp.broadcast_to(jnp.sum(tm * tm, axis=0)[None, None, :], (1, 8, d))

    return pl.pallas_call(
        body,
        grid=(grid,),
        in_specs=[
            pl.BlockSpec((NC, blk, d), lambda i: (0, i, 0)),
            pl.BlockSpec((blk, d), lambda i: (i, 0)),
            pl.BlockSpec((NC, blk), lambda i: (0, i)),
            pl.BlockSpec((1, d), lambda i: (0, 0)),
        ],
        out_specs=[
            pl.BlockSpec((blk, d), lambda i: (i, 0)),
            pl.BlockSpec((1, 8, d), lambda i: (i, 0, 0)),
            pl.BlockSpec((1, 8, d), lambda i: (i, 0, 0)),
        ],
        out_shape=[
            jax.ShapeDtypeStruct((npad, d), jnp.float32),
            jax.ShapeDtypeStruct((grid, 8, d), jnp.float32),
            jax.ShapeDtypeStruct((grid, 8, d), jnp.float32),
        ],
    )


def _tc_norm(n, d, blk, sgrid):
    grid = n // blk

    def body(t_ref, ps_ref, pq_ref, g_ref, be_ref, o_ref):
        inv_n = 1.0 / n
        mean = jnp.sum(ps_ref[:, 0, :], axis=0) * inv_n
        ex2 = jnp.sum(pq_ref[:, 0, :], axis=0) * inv_n
        var = ex2 - mean * mean
        scale = lax.rsqrt(var + 1e-5) * g_ref[0, :]
        o_ref[...] = (t_ref[...] - mean[None, :]) * scale[None, :] + be_ref[...]

    return pl.pallas_call(
        body,
        grid=(grid,),
        in_specs=[
            pl.BlockSpec((blk, d), lambda i: (i, 0)),
            pl.BlockSpec((sgrid, 8, d), lambda i: (0, 0, 0)),
            pl.BlockSpec((sgrid, 8, d), lambda i: (0, 0, 0)),
            pl.BlockSpec((1, d), lambda i: (0, 0)),
            pl.BlockSpec((1, d), lambda i: (0, 0)),
        ],
        out_specs=pl.BlockSpec((blk, d), lambda i: (i, 0)),
        out_shape=jax.ShapeDtypeStruct((n, d), jnp.float32),
    )


def kernel(data, edge_index, W, b, bn_gamma, bn_beta):
    n, d = data.shape
    e = edge_index.shape[1]

    npad = ((n + 16 + 511) // 512) * 512
    kch = -(-e // (NW * CHUNK))
    kch = ((kch + 3) // 4) * 4
    e_pad = NW * kch * CHUNK

    ei = edge_index.astype(jnp.int32)
    pad = n + jnp.arange(e_pad - e, dtype=jnp.int32) % (npad - n)
    src = jnp.concatenate([ei[0], pad]).reshape(NW, kch, CHUNK)
    dst = jnp.concatenate([ei[1], pad]).reshape(NW, kch, CHUNK)

    data_p = jnp.pad(data, ((0, npad - n), (0, 0)))
    z128 = jnp.zeros((npad // NS, d), jnp.float32)

    cnt = _sc_degree(NW, kch, npad)(dst)
    y = _tc_y(npad, d, 1024)(data_p, W, cnt)
    acc = _sc_aggregate(NW, kch, npad, d)(y, src, dst, z128)

    t, ps, pq = _tc_combine(npad, n, d, 2048)(acc, y, cnt, b.reshape(1, d))
    out = _tc_norm(n, d, 2000, npad // 2048)(
        t, ps, pq, bn_gamma.reshape(1, d), bn_beta.reshape(1, d)
    )
    return out

# --- scband reference (transcript-rebuilt; emitter-appended) ---
"""Pipeline reference for scband-gcnblock-4887672783235 (READ-ONLY COPY).

The authoritative reference and input builder live on the scoring server;
editing this copy changes nothing except your own understanding.
"""

import jax, jax.numpy as jnp
import numpy as np

N_NODES = 10000
N_EDGES = 320000
D_IN = 128
D_OUT = 128

def setup_inputs(seed: int = 0) -> dict:
    key = jax.random.key(seed)
    k1, k2, k3, k4 = jax.random.split(key, 4)
    data = jax.random.normal(k1, (N_NODES, D_IN), dtype=jnp.float32)
    edge_index = jax.random.randint(k2, (2, N_EDGES), 0, N_NODES, dtype=jnp.int64)
    W = jax.random.normal(k3, (D_IN, D_OUT), dtype=jnp.float32) * 0.05
    b = jnp.zeros((D_OUT,), dtype=jnp.float32)
    bn_gamma = jnp.ones((D_OUT,), dtype=jnp.float32)
    bn_beta = jnp.zeros((D_OUT,), dtype=jnp.float32)
    return {"data": data, "edge_index": edge_index, "W": W, "b": b, "bn_gamma": bn_gamma, "bn_beta": bn_beta}

def reference(data, edge_index, W, b, bn_gamma, bn_beta):
    N = data.shape[0]
    # --- GCNConv with symmetric normalization and self-loops (PyG default) ---
    loop = jnp.arange(N, dtype=edge_index.dtype)
    src = jnp.concatenate([edge_index[0], loop])
    dst = jnp.concatenate([edge_index[1], loop])
    xw = data @ W  # linear transform first
    deg = jnp.zeros((N,), dtype=jnp.float32).at[dst].add(1.0)
    deg_inv_sqrt = jnp.where(deg > 0, 1.0 / jnp.sqrt(deg), 0.0)
    norm = deg_inv_sqrt[src] * deg_inv_sqrt[dst]
    msg = xw[src] * norm[:, None]
    out = jnp.zeros((N, W.shape[1]), dtype=jnp.float32).at[dst].add(msg)
    out = out + b
    # --- ReLU ---
    out = jnp.maximum(out, 0.0)
    # --- BatchNorm over node dimension (training-mode batch statistics) ---
    mean = jnp.mean(out, axis=0)
    var = jnp.var(out, axis=0)
    out = (out - mean) / jnp.sqrt(var + 1e-5) * bn_gamma + bn_beta
    # --- Dropout: identity in eval / deterministic reference ---
    return out

if __name__ == "__main__":
    import jax
    _d = setup_inputs()
    print(jax.jit(kernel)(*tuple(_d.values())))

</pallas_src>

<mosaic_0001>
#map = affine_map<(d0, d1) -> (0, 0)>
#map1 = affine_map<(d0, d1) -> (0, 0, 0)>
module attributes {stable_mosaic.version = 14 : i64} {
  func.func @body(%arg0: i32, %arg1: i32, %arg2: memref<10240x128xf32, #tpu.memory_space<hbm>>, %arg3: memref<32x80x128xi32, #tpu.memory_space<hbm>>, %arg4: memref<32x80x128xi32, #tpu.memory_space<hbm>>, %arg5: memref<640x128xf32, #tpu.memory_space<hbm>>, %arg6: memref<2x10240x128xf32, #tpu.memory_space<hbm>>, %arg7: memref<10240x128xf32, #tpu.memory_space<vmem_shared>>, %arg8: memref<40x128xi32, #tpu.memory_space<vmem>>, %arg9: memref<40x128xi32, #tpu.memory_space<vmem>>, %arg10: memref<2x128x128xf32, #tpu.memory_space<vmem>>, %arg11: memref<2x!tpu.dma_semaphore, #tpu.memory_space<semaphore_mem>>) attributes {dimension_semantics = [#tpu.dimension_semantics<core_parallel>, #tpu.dimension_semantics<subcore_parallel>], iteration_bounds = array<i64: 2, 16>, scalar_prefetch = 0 : i64, scratch_operands = 5 : i64, tpu.core_type = #tpu.core_type<sc_vector_subcore>, window_params = [{transform_indices = #map}, {transform_indices = #map1}, {transform_indices = #map1}, {transform_indices = #map}, {transform_indices = #map1}]} {
    %mul3A = arith.constant 16 : i32
    %mul3A_0 = arith.muli %arg0, %mul3A : i32
    %add3A = arith.addi %mul3A_0, %arg1 : i32
    %mul3A_1 = arith.constant 640 : i32
    %mul3A_2 = arith.muli %arg1, %mul3A_1 : i32
    "tpu.region"() ({
      %run_scoped3A = tpu.sem_alloc : memref<!tpu.dma_semaphore, #tpu.memory_space<semaphore_mem>>
      %dma_start3A_78 = arith.constant 0 : i32
      %dma_start3A_79 = tpu.memref_slice %arg7[%mul3A_2, %dma_start3A_78] : memref<10240x128xf32, #tpu.memory_space<vmem_shared>> -> memref<640x128xf32, #tpu.memory_space<vmem_shared>>
      tpu.enqueue_dma source(%arg5 : memref<640x128xf32, #tpu.memory_space<hbm>>) target(%dma_start3A_79 : memref<640x128xf32, #tpu.memory_space<vmem_shared>>) target_semaphore(%run_scoped3A : memref<!tpu.dma_semaphore, #tpu.memory_space<semaphore_mem>>)
      %dma_wait3A = arith.constant 0 : i32
      %dma_wait3A_80 = tpu.memref_slice %arg7[%mul3A_2, %dma_wait3A] : memref<10240x128xf32, #tpu.memory_space<vmem_shared>> -> memref<640x128xf32, #tpu.memory_space<vmem_shared>>
      tpu.wait_dma2 semaphore(%run_scoped3A : memref<!tpu.dma_semaphore, #tpu.memory_space<semaphore_mem>>) src(%arg5 : memref<640x128xf32, #tpu.memory_space<hbm>>) dst(%dma_wait3A_80 : memref<640x128xf32, #tpu.memory_space<vmem_shared>>)
      tpu.yield
    }) : () -> ()
    %barrier3A = arith.constant 0 : index
    tpu.barrier barrier_id(%barrier3A)
    "tpu.region"() ({
      %run_scoped3A = tpu.sem_alloc : memref<!tpu.dma_semaphore, #tpu.memory_space<semaphore_mem>>
      %dma_start3A_78 = arith.constant 0 : i32
      %dma_start3A_79 = arith.constant 0 : i32
      %dma_start3A_80 = tpu.memref_slice %arg3[%add3A, %dma_start3A_78, %dma_start3A_79] : memref<32x80x128xi32, #tpu.memory_space<hbm>> -> memref<1x40x128xi32, #tpu.memory_space<hbm>>
      %dma_start3A_81 = tpu.memref_squeeze %dma_start3A_80 : memref<1x40x128xi32, #tpu.memory_space<hbm>> -> memref<40x128xi32, #tpu.memory_space<hbm>>
      %dma_start3A_82 = arith.constant 0 : i32
      %dma_start3A_83 = arith.constant 0 : i32
      %dma_start3A_84 = tpu.memref_slice %arg3[%add3A, %dma_start3A_82, %dma_start3A_83] : memref<32x80x128xi32, #tpu.memory_space<hbm>> -> memref<1x40x128xi32, #tpu.memory_space<hbm>>
      %dma_start3A_85 = tpu.memref_squeeze %dma_start3A_84 : memref<1x40x128xi32, #tpu.memory_space<hbm>> -> memref<40x128xi32, #tpu.memory_space<hbm>>
      tpu.enqueue_dma source(%dma_start3A_85 : memref<40x128xi32, #tpu.memory_space<hbm>>) target(%arg8 : memref<40x128xi32, #tpu.memory_space<vmem>>) target_semaphore(%run_scoped3A : memref<!tpu.dma_semaphore, #tpu.memory_space<semaphore_mem>>)
      %dma_wait3A = arith.constant 0 : i32
      %dma_wait3A_86 = arith.constant 0 : i32
      %dma_wait3A_87 = tpu.memref_slice %arg3[%add3A, %dma_wait3A, %dma_wait3A_86] : memref<32x80x128xi32, #tpu.memory_space<hbm>> -> memref<1x40x128xi32, #tpu.memory_space<hbm>>
      %dma_wait3A_88 = tpu.memref_squeeze %dma_wait3A_87 : memref<1x40x128xi32, #tpu.memory_space<hbm>> -> memref<40x128xi32, #tpu.memory_space<hbm>>
      %dma_wait3A_89 = arith.constant 0 : i32
      %dma_wait3A_90 = arith.constant 0 : i32
      %dma_wait3A_91 = tpu.memref_slice %arg3[%add3A, %dma_wait3A_89, %dma_wait3A_90] : memref<32x80x128xi32, #tpu.memory_space<hbm>> -> memref<1x40x128xi32, #tpu.memory_space<hbm>>
      %dma_wait3A_92 = tpu.memref_squeeze %dma_wait3A_91 : memref<1x40x128xi32, #tpu.memory_space<hbm>> -> memref<40x128xi32, #tpu.memory_space<hbm>>
      tpu.wait_dma2 semaphore(%run_scoped3A : memref<!tpu.dma_semaphore, #tpu.memory_space<semaphore_mem>>) src(%dma_wait3A_92 : memref<40x128xi32, #tpu.memory_space<hbm>>) dst(%arg8 : memref<40x128xi32, #tpu.memory_space<vmem>>)
      tpu.yield
    }) : () -> ()
    "tpu.region"() ({
      %run_scoped3A = tpu.sem_alloc : memref<!tpu.dma_semaphore, #tpu.memory_space<semaphore_mem>>
      %dma_start3A_78 = arith.constant 0 : i32
      %dma_start3A_79 = arith.constant 0 : i32
      %dma_start3A_80 = tpu.memref_slice %arg4[%add3A, %dma_start3A_78, %dma_start3A_79] : memref<32x80x128xi32, #tpu.memory_space<hbm>> -> memref<1x40x128xi32, #tpu.memory_space<hbm>>
      %dma_start3A_81 = tpu.memref_squeeze %dma_start3A_80 : memref<1x40x128xi32, #tpu.memory_space<hbm>> -> memref<40x128xi32, #tpu.memory_space<hbm>>
      %dma_start3A_82 = arith.constant 0 : i32
      %dma_start3A_83 = arith.constant 0 : i32
      %dma_start3A_84 = tpu.memref_slice %arg4[%add3A, %dma_start3A_82, %dma_start3A_83] : memref<32x80x128xi32, #tpu.memory_space<hbm>> -> memref<1x40x128xi32, #tpu.memory_space<hbm>>
      %dma_start3A_85 = tpu.memref_squeeze %dma_start3A_84 : memref<1x40x128xi32, #tpu.memory_space<hbm>> -> memref<40x128xi32, #tpu.memory_space<hbm>>
      tpu.enqueue_dma source(%dma_start3A_85 : memref<40x128xi32, #tpu.memory_space<hbm>>) target(%arg9 : memref<40x128xi32, #tpu.memory_space<vmem>>) target_semaphore(%run_scoped3A : memref<!tpu.dma_semaphore, #tpu.memory_space<semaphore_mem>>)
      %dma_wait3A = arith.constant 0 : i32
      %dma_wait3A_86 = arith.constant 0 : i32
      %dma_wait3A_87 = tpu.memref_slice %arg4[%add3A, %dma_wait3A, %dma_wait3A_86] : memref<32x80x128xi32, #tpu.memory_space<hbm>> -> memref<1x40x128xi32, #tpu.memory_space<hbm>>
      %dma_wait3A_88 = tpu.memref_squeeze %dma_wait3A_87 : memref<1x40x128xi32, #tpu.memory_space<hbm>> -> memref<40x128xi32, #tpu.memory_space<hbm>>
      %dma_wait3A_89 = arith.constant 0 : i32
      %dma_wait3A_90 = arith.constant 0 : i32
      %dma_wait3A_91 = tpu.memref_slice %arg4[%add3A, %dma_wait3A_89, %dma_wait3A_90] : memref<32x80x128xi32, #tpu.memory_space<hbm>> -> memref<1x40x128xi32, #tpu.memory_space<hbm>>
      %dma_wait3A_92 = tpu.memref_squeeze %dma_wait3A_91 : memref<1x40x128xi32, #tpu.memory_space<hbm>> -> memref<40x128xi32, #tpu.memory_space<hbm>>
      tpu.wait_dma2 semaphore(%run_scoped3A : memref<!tpu.dma_semaphore, #tpu.memory_space<semaphore_mem>>) src(%dma_wait3A_92 : memref<40x128xi32, #tpu.memory_space<hbm>>) dst(%arg9 : memref<40x128xi32, #tpu.memory_space<vmem>>)
      tpu.yield
    }) : () -> ()
    %dma_start3A = arith.constant 0 : i32
    %dma_start3A_3 = arith.constant 0 : i32
    %dma_start3A_4 = arith.constant 0 : i32
    %dma_start3A_5 = arith.constant 0 : i32
    %dma_start3A_6 = arith.constant 0 : i32
    %dma_start3A_7 = tpu.memref_slice %arg10[%dma_start3A_3, %dma_start3A_5, %dma_start3A_6] : memref<2x128x128xf32, #tpu.memory_space<vmem>> -> memref<1x128x128xf32, #tpu.memory_space<vmem>>
    %dma_start3A_8 = tpu.memref_squeeze %dma_start3A_7 : memref<1x128x128xf32, #tpu.memory_space<vmem>> -> memref<128x128xf32, #tpu.memory_space<vmem>>
    %dma_start3A_9 = arith.constant 0 : i32
    %dma_start3A_10 = tpu.memref_slice %arg8[%dma_start3A, %dma_start3A_9] : memref<40x128xi32, #tpu.memory_space<vmem>> -> memref<1x128xi32, #tpu.memory_space<vmem>>
    %dma_start3A_11 = tpu.memref_squeeze %dma_start3A_10 : memref<1x128xi32, #tpu.memory_space<vmem>> -> memref<128xi32, #tpu.memory_space<vmem>>
    %dma_start3A_12 = arith.constant 0 : i32
    %dma_start3A_13 = arith.constant 0 : i32
    %dma_start3A_14 = tpu.memref_slice %arg2[%dma_start3A_12, %dma_start3A_13] : memref<10240x128xf32, #tpu.memory_space<hbm>> -> memref<10240x128xf32, #tpu.memory_space<hbm>>
    %dma_start3A_15 = tpu.memref_slice %arg11[%dma_start3A_4] : memref<2x!tpu.dma_semaphore, #tpu.memory_space<semaphore_mem>> -> memref<1x!tpu.dma_semaphore, #tpu.memory_space<semaphore_mem>>
    %dma_start3A_16 = tpu.memref_squeeze %dma_start3A_15 : memref<1x!tpu.dma_semaphore, #tpu.memory_space<semaphore_mem>> -> memref<!tpu.dma_semaphore, #tpu.memory_space<semaphore_mem>>
    tpu.enqueue_indirect_dma source(%dma_start3A_14 : memref<10240x128xf32, #tpu.memory_space<hbm>>) target(%dma_start3A_8 : memref<128x128xf32, #tpu.memory_space<vmem>>) offsets(%dma_start3A_11 : memref<128xi32, #tpu.memory_space<vmem>>) semaphore(%dma_start3A_16 : memref<!tpu.dma_semaphore, #tpu.memory_space<semaphore_mem>>)
    %dma_start3A_17 = arith.constant 1 : i32
    %dma_start3A_18 = arith.constant 1 : i32
    %dma_start3A_19 = arith.constant 1 : i32
    %dma_start3A_20 = arith.constant 0 : i32
    %dma_start3A_21 = arith.constant 0 : i32
    %dma_start3A_22 = tpu.memref_slice %arg10[%dma_start3A_18, %dma_start3A_20, %dma_start3A_21] : memref<2x128x128xf32, #tpu.memory_space<vmem>> -> memref<1x128x128xf32, #tpu.memory_space<vmem>>
    %dma_start3A_23 = tpu.memref_squeeze %dma_start3A_22 : memref<1x128x128xf32, #tpu.memory_space<vmem>> -> memref<128x128xf32, #tpu.memory_space<vmem>>
    %dma_start3A_24 = arith.constant 0 : i32
    %dma_start3A_25 = tpu.memref_slice %arg8[%dma_start3A_17, %dma_start3A_24] : memref<40x128xi32, #tpu.memory_space<vmem>> -> memref<1x128xi32, #tpu.memory_space<vmem>>
    %dma_start3A_26 = tpu.memref_squeeze %dma_start3A_25 : memref<1x128xi32, #tpu.memory_space<vmem>> -> memref<128xi32, #tpu.memory_space<vmem>>
    %dma_start3A_27 = arith.constant 0 : i32
    %dma_start3A_28 = arith.constant 0 : i32
    %dma_start3A_29 = tpu.memref_slice %arg2[%dma_start3A_27, %dma_start3A_28] : memref<10240x128xf32, #tpu.memory_space<hbm>> -> memref<10240x128xf32, #tpu.memory_space<hbm>>
    %dma_start3A_30 = tpu.memref_slice %arg11[%dma_start3A_19] : memref<2x!tpu.dma_semaphore, #tpu.memory_space<semaphore_mem>> -> memref<1x!tpu.dma_semaphore, #tpu.memory_space<semaphore_mem>>
    %dma_start3A_31 = tpu.memref_squeeze %dma_start3A_30 : memref<1x!tpu.dma_semaphore, #tpu.memory_space<semaphore_mem>> -> memref<!tpu.dma_semaphore, #tpu.memory_space<semaphore_mem>>
    tpu.enqueue_indirect_dma source(%dma_start3A_29 : memref<10240x128xf32, #tpu.memory_space<hbm>>) target(%dma_start3A_23 : memref<128x128xf32, #tpu.memory_space<vmem>>) offsets(%dma_start3A_26 : memref<128xi32, #tpu.memory_space<vmem>>) semaphore(%dma_start3A_31 : memref<!tpu.dma_semaphore, #tpu.memory_space<semaphore_mem>>)
    %scan3A = arith.constant 0 : i32
    %scan3A_32 = arith.constant 0 : i32
    %scan3A_33 = arith.constant 20 : i32
    %scan3A_34 = arith.addi %scan3A_32, %scan3A_33 : i32
    %scan3A_35 = arith.constant 1 : i32
    scf.for %scan3A_78 = %scan3A_32 to %scan3A_34 step %scan3A_35  : i32 {
      %mul3A_79 = arith.constant 2 : i32
      %mul3A_80 = arith.muli %scan3A_78, %mul3A_79 : i32
      %add3A_81 = arith.constant 0 : i32
      %add3A_82 = arith.addi %mul3A_80, %add3A_81 : i32
      %dma_wait3A = arith.constant 0 : i32
      %dma_wait3A_83 = arith.constant 0 : i32
      %dma_wait3A_84 = arith.constant 0 : i32
      %dma_wait3A_85 = arith.constant 0 : i32
      %dma_wait3A_86 = tpu.memref_slice %arg10[%dma_wait3A, %dma_wait3A_84, %dma_wait3A_85] : memref<2x128x128xf32, #tpu.memory_space<vmem>> -> memref<1x128x128xf32, #tpu.memory_space<vmem>>
      %dma_wait3A_87 = tpu.memref_squeeze %dma_wait3A_86 : memref<1x128x128xf32, #tpu.memory_space<vmem>> -> memref<128x128xf32, #tpu.memory_space<vmem>>
      %dma_wait3A_88 = arith.constant 0 : i32
      %dma_wait3A_89 = tpu.memref_slice %arg8[%add3A_82, %dma_wait3A_88] : memref<40x128xi32, #tpu.memory_space<vmem>> -> memref<1x128xi32, #tpu.memory_space<vmem>>
      %dma_wait3A_90 = tpu.memref_squeeze %dma_wait3A_89 : memref<1x128xi32, #tpu.memory_space<vmem>> -> memref<128xi32, #tpu.memory_space<vmem>>
      %dma_wait3A_91 = arith.constant 0 : i32
      %dma_wait3A_92 = arith.constant 0 : i32
      %dma_wait3A_93 = tpu.memref_slice %arg2[%dma_wait3A_91, %dma_wait3A_92] : memref<10240x128xf32, #tpu.memory_space<hbm>> -> memref<10240x128xf32, #tpu.memory_space<hbm>>
      %dma_wait3A_94 = tpu.memref_slice %arg11[%dma_wait3A_83] : memref<2x!tpu.dma_semaphore, #tpu.memory_space<semaphore_mem>> -> memref<1x!tpu.dma_semaphore, #tpu.memory_space<semaphore_mem>>
      %dma_wait3A_95 = tpu.memref_squeeze %dma_wait3A_94 : memref<1x!tpu.dma_semaphore, #tpu.memory_space<semaphore_mem>> -> memref<!tpu.dma_semaphore, #tpu.memory_space<semaphore_mem>>
      tpu.wait_indirect_dma semaphore(%dma_wait3A_95 : memref<!tpu.dma_semaphore, #tpu.memory_space<semaphore_mem>>) src(%dma_wait3A_93 : memref<10240x128xf32, #tpu.memory_space<hbm>>) dst(%dma_wait3A_87 : memref<128x128xf32, #tpu.memory_space<vmem>>)
      %run_scoped3A = arith.constant 0 : i32
      "tpu.region"() ({
        %run_scoped3A_126 = tpu.sem_alloc : memref<!tpu.dma_semaphore, #tpu.memory_space<semaphore_mem>>
        %dma_start3A_127 = arith.constant 0 : i32
        %dma_start3A_128 = arith.constant 0 : i32
        %dma_start3A_129 = tpu.memref_slice %arg10[%run_scoped3A, %dma_start3A_127, %dma_start3A_128] : memref<2x128x128xf32, #tpu.memory_space<vmem>> -> memref<1x128x128xf32, #tpu.memory_space<vmem>>
        %dma_start3A_130 = tpu.memref_squeeze %dma_start3A_129 : memref<1x128x128xf32, #tpu.memory_space<vmem>> -> memref<128x128xf32, #tpu.memory_space<vmem>>
        %dma_start3A_131 = arith.constant 0 : i32
        %dma_start3A_132 = tpu.memref_slice %arg9[%add3A_82, %dma_start3A_131] : memref<40x128xi32, #tpu.memory_space<vmem>> -> memref<1x128xi32, #tpu.memory_space<vmem>>
        %dma_start3A_133 = tpu.memref_squeeze %dma_start3A_132 : memref<1x128xi32, #tpu.memory_space<vmem>> -> memref<128xi32, #tpu.memory_space<vmem>>
        %dma_start3A_134 = arith.constant 0 : i32
        %dma_start3A_135 = arith.constant 0 : i32
        %dma_start3A_136 = tpu.memref_slice %arg7[%dma_start3A_134, %dma_start3A_135] : memref<10240x128xf32, #tpu.memory_space<vmem_shared>> -> memref<10240x128xf32, #tpu.memory_space<vmem_shared>>
        tpu.enqueue_indirect_dma source(%dma_start3A_130 : memref<128x128xf32, #tpu.memory_space<vmem>>) target(%dma_start3A_136 : memref<10240x128xf32, #tpu.memory_space<vmem_shared>>) offsets(%dma_start3A_133 : memref<128xi32, #tpu.memory_space<vmem>>) semaphore(%run_scoped3A_126 : memref<!tpu.dma_semaphore, #tpu.memory_space<semaphore_mem>>) {add = true}
        %dma_wait3A_137 = arith.constant 0 : i32
        %dma_wait3A_138 = arith.constant 0 : i32
        %dma_wait3A_139 = tpu.memref_slice %arg10[%run_scoped3A, %dma_wait3A_137, %dma_wait3A_138] : memref<2x128x128xf32, #tpu.memory_space<vmem>> -> memref<1x128x128xf32, #tpu.memory_space<vmem>>
        %dma_wait3A_140 = tpu.memref_squeeze %dma_wait3A_139 : memref<1x128x128xf32, #tpu.memory_space<vmem>> -> memref<128x128xf32, #tpu.memory_space<vmem>>
        %dma_wait3A_141 = arith.constant 0 : i32
        %dma_wait3A_142 = tpu.memref_slice %arg9[%add3A_82, %dma_wait3A_141] : memref<40x128xi32, #tpu.memory_space<vmem>> -> memref<1x128xi32, #tpu.memory_space<vmem>>
        %dma_wait3A_143 = tpu.memref_squeeze %dma_wait3A_142 : memref<1x128xi32, #tpu.memory_space<vmem>> -> memref<128xi32, #tpu.memory_space<vmem>>
        %dma_wait3A_144 = arith.constant 0 : i32
        %dma_wait3A_145 = arith.constant 0 : i32
        %dma_wait3A_146 = tpu.memref_slice %arg7[%dma_wait3A_144, %dma_wait3A_145] : memref<10240x128xf32, #tpu.memory_space<vmem_shared>> -> memref<10240x128xf32, #tpu.memory_space<vmem_shared>>
        tpu.wait_indirect_dma semaphore(%run_scoped3A_126 : memref<!tpu.dma_semaphore, #tpu.memory_space<semaphore_mem>>) src(%dma_wait3A_140 : memref<128x128xf32, #tpu.memory_space<vmem>>) dst(%dma_wait3A_146 : memref<10240x128xf32, #tpu.memory_space<vmem_shared>>)
        tpu.yield
      }) : () -> ()
      %add3A_96 = arith.constant 2 : i32
      %add3A_97 = arith.addi %add3A_82, %add3A_96 : i32
      %lt3A = arith.constant 40 : i32
      %lt3A_98 = arith.cmpi slt, %add3A_97, %lt3A : i32
      %convert_element_type3A = arith.extui %lt3A_98 : i1 to i32
      %cond3A = arith.constant 0 : i32
      %cond3A_99 = arith.cmpi ne, %convert_element_type3A, %cond3A : i32
      scf.if %cond3A_99 {
        %add3A_126 = arith.constant 2 : i32
        %add3A_127 = arith.addi %add3A_82, %add3A_126 : i32
        %dma_start3A_128 = arith.constant 0 : i32
        %dma_start3A_129 = arith.constant 0 : i32
        %dma_start3A_130 = arith.constant 0 : i32
        %dma_start3A_131 = arith.constant 0 : i32
        %dma_start3A_132 = tpu.memref_slice %arg10[%dma_start3A_128, %dma_start3A_130, %dma_start3A_131] : memref<2x128x128xf32, #tpu.memory_space<vmem>> -> memref<1x128x128xf32, #tpu.memory_space<vmem>>
        %dma_start3A_133 = tpu.memref_squeeze %dma_start3A_132 : memref<1x128x128xf32, #tpu.memory_space<vmem>> -> memref<128x128xf32, #tpu.memory_space<vmem>>
        %dma_start3A_134 = arith.constant 0 : i32
        %dma_start3A_135 = tpu.memref_slice %arg8[%add3A_127, %dma_start3A_134] : memref<40x128xi32, #tpu.memory_space<vmem>> -> memref<1x128xi32, #tpu.memory_space<vmem>>
        %dma_start3A_136 = tpu.memref_squeeze %dma_start3A_135 : memref<1x128xi32, #tpu.memory_space<vmem>> -> memref<128xi32, #tpu.memory_space<vmem>>
        %dma_start3A_137 = arith.constant 0 : i32
        %dma_start3A_138 = arith.constant 0 : i32
        %dma_start3A_139 = tpu.memref_slice %arg2[%dma_start3A_137, %dma_start3A_138] : memref<10240x128xf32, #tpu.memory_space<hbm>> -> memref<10240x128xf32, #tpu.memory_space<hbm>>
        %dma_start3A_140 = tpu.memref_slice %arg11[%dma_start3A_129] : memref<2x!tpu.dma_semaphore, #tpu.memory_space<semaphore_mem>> -> memref<1x!tpu.dma_semaphore, #tpu.memory_space<semaphore_mem>>
        %dma_start3A_141 = tpu.memref_squeeze %dma_start3A_140 : memref<1x!tpu.dma_semaphore, #tpu.memory_space<semaphore_mem>> -> memref<!tpu.dma_semaphore, #tpu.memory_space<semaphore_mem>>
        tpu.enqueue_indirect_dma source(%dma_start3A_139 : memref<10240x128xf32, #tpu.memory_space<hbm>>) target(%dma_start3A_133 : memref<128x128xf32, #tpu.memory_space<vmem>>) offsets(%dma_start3A_136 : memref<128xi32, #tpu.memory_space<vmem>>) semaphore(%dma_start3A_141 : memref<!tpu.dma_semaphore, #tpu.memory_space<semaphore_mem>>)
      } else {
      }
      %mul3A_100 = arith.constant 2 : i32
      %mul3A_101 = arith.muli %scan3A_78, %mul3A_100 : i32
      %add3A_102 = arith.constant 1 : i32
      %add3A_103 = arith.addi %mul3A_101, %add3A_102 : i32
      %dma_wait3A_104 = arith.constant 1 : i32
      %dma_wait3A_105 = arith.constant 1 : i32
      %dma_wait3A_106 = arith.constant 0 : i32
      %dma_wait3A_107 = arith.constant 0 : i32
      %dma_wait3A_108 = tpu.memref_slice %arg10[%dma_wait3A_104, %dma_wait3A_106, %dma_wait3A_107] : memref<2x128x128xf32, #tpu.memory_space<vmem>> -> memref<1x128x128xf32, #tpu.memory_space<vmem>>
      %dma_wait3A_109 = tpu.memref_squeeze %dma_wait3A_108 : memref<1x128x128xf32, #tpu.memory_space<vmem>> -> memref<128x128xf32, #tpu.memory_space<vmem>>
      %dma_wait3A_110 = arith.constant 0 : i32
      %dma_wait3A_111 = tpu.memref_slice %arg8[%add3A_103, %dma_wait3A_110] : memref<40x128xi32, #tpu.memory_space<vmem>> -> memref<1x128xi32, #tpu.memory_space<vmem>>
      %dma_wait3A_112 = tpu.memref_squeeze %dma_wait3A_111 : memref<1x128xi32, #tpu.memory_space<vmem>> -> memref<128xi32, #tpu.memory_space<vmem>>
      %dma_wait3A_113 = arith.constant 0 : i32
      %dma_wait3A_114 = arith.constant 0 : i32
      %dma_wait3A_115 = tpu.memref_slice %arg2[%dma_wait3A_113, %dma_wait3A_114] : memref<10240x128xf32, #tpu.memory_space<hbm>> -> memref<10240x128xf32, #tpu.memory_space<hbm>>
      %dma_wait3A_116 = tpu.memref_slice %arg11[%dma_wait3A_105] : memref<2x!tpu.dma_semaphore, #tpu.memory_space<semaphore_mem>> -> memref<1x!tpu.dma_semaphore, #tpu.memory_space<semaphore_mem>>
      %dma_wait3A_117 = tpu.memref_squeeze %dma_wait3A_116 : memref<1x!tpu.dma_semaphore, #tpu.memory_space<semaphore_mem>> -> memref<!tpu.dma_semaphore, #tpu.memory_space<semaphore_mem>>
      tpu.wait_indirect_dma semaphore(%dma_wait3A_117 : memref<!tpu.dma_semaphore, #tpu.memory_space<semaphore_mem>>) src(%dma_wait3A_115 : memref<10240x128xf32, #tpu.memory_space<hbm>>) dst(%dma_wait3A_109 : memref<128x128xf32, #tpu.memory_space<vmem>>)
      %run_scoped3A_118 = arith.constant 1 : i32
      "tpu.region"() ({
        %run_scoped3A_126 = tpu.sem_alloc : memref<!tpu.dma_semaphore, #tpu.memory_space<semaphore_mem>>
        %dma_start3A_127 = arith.constant 0 : i32
        %dma_start3A_128 = arith.constant 0 : i32
        %dma_start3A_129 = tpu.memref_slice %arg10[%run_scoped3A_118, %dma_start3A_127, %dma_start3A_128] : memref<2x128x128xf32, #tpu.memory_space<vmem>> -> memref<1x128x128xf32, #tpu.memory_space<vmem>>
        %dma_start3A_130 = tpu.memref_squeeze %dma_start3A_129 : memref<1x128x128xf32, #tpu.memory_space<vmem>> -> memref<128x128xf32, #tpu.memory_space<vmem>>
        %dma_start3A_131 = arith.constant 0 : i32
        %dma_start3A_132 = tpu.memref_slice %arg9[%add3A_103, %dma_start3A_131] : memref<40x128xi32, #tpu.memory_space<vmem>> -> memref<1x128xi32, #tpu.memory_space<vmem>>
        %dma_start3A_133 = tpu.memref_squeeze %dma_start3A_132 : memref<1x128xi32, #tpu.memory_space<vmem>> -> memref<128xi32, #tpu.memory_space<vmem>>
        %dma_start3A_134 = arith.constant 0 : i32
        %dma_start3A_135 = arith.constant 0 : i32
        %dma_start3A_136 = tpu.memref_slice %arg7[%dma_start3A_134, %dma_start3A_135] : memref<10240x128xf32, #tpu.memory_space<vmem_shared>> -> memref<10240x128xf32, #tpu.memory_space<vmem_shared>>
        tpu.enqueue_indirect_dma source(%dma_start3A_130 : memref<128x128xf32, #tpu.memory_space<vmem>>) target(%dma_start3A_136 : memref<10240x128xf32, #tpu.memory_space<vmem_shared>>) offsets(%dma_start3A_133 : memref<128xi32, #tpu.memory_space<vmem>>) semaphore(%run_scoped3A_126 : memref<!tpu.dma_semaphore, #tpu.memory_space<semaphore_mem>>) {add = true}
        %dma_wait3A_137 = arith.constant 0 : i32
        %dma_wait3A_138 = arith.constant 0 : i32
        %dma_wait3A_139 = tpu.memref_slice %arg10[%run_scoped3A_118, %dma_wait3A_137, %dma_wait3A_138] : memref<2x128x128xf32, #tpu.memory_space<vmem>> -> memref<1x128x128xf32, #tpu.memory_space<vmem>>
        %dma_wait3A_140 = tpu.memref_squeeze %dma_wait3A_139 : memref<1x128x128xf32, #tpu.memory_space<vmem>> -> memref<128x128xf32, #tpu.memory_space<vmem>>
        %dma_wait3A_141 = arith.constant 0 : i32
        %dma_wait3A_142 = tpu.memref_slice %arg9[%add3A_103, %dma_wait3A_141] : memref<40x128xi32, #tpu.memory_space<vmem>> -> memref<1x128xi32, #tpu.memory_space<vmem>>
        %dma_wait3A_143 = tpu.memref_squeeze %dma_wait3A_142 : memref<1x128xi32, #tpu.memory_space<vmem>> -> memref<128xi32, #tpu.memory_space<vmem>>
        %dma_wait3A_144 = arith.constant 0 : i32
        %dma_wait3A_145 = arith.constant 0 : i32
        %dma_wait3A_146 = tpu.memref_slice %arg7[%dma_wait3A_144, %dma_wait3A_145] : memref<10240x128xf32, #tpu.memory_space<vmem_shared>> -> memref<10240x128xf32, #tpu.memory_space<vmem_shared>>
        tpu.wait_indirect_dma semaphore(%run_scoped3A_126 : memref<!tpu.dma_semaphore, #tpu.memory_space<semaphore_mem>>) src(%dma_wait3A_140 : memref<128x128xf32, #tpu.memory_space<vmem>>) dst(%dma_wait3A_146 : memref<10240x128xf32, #tpu.memory_space<vmem_shared>>)
        tpu.yield
      }) : () -> ()
      %add3A_119 = arith.constant 2 : i32
      %add3A_120 = arith.addi %add3A_103, %add3A_119 : i32
      %lt3A_121 = arith.constant 40 : i32
      %lt3A_122 = arith.cmpi slt, %add3A_120, %lt3A_121 : i32
      %convert_element_type3A_123 = arith.extui %lt3A_122 : i1 to i32
      %cond3A_124 = arith.constant 0 : i32
      %cond3A_125 = arith.cmpi ne, %convert_element_type3A_123, %cond3A_124 : i32
      scf.if %cond3A_125 {
        %add3A_126 = arith.constant 2 : i32
        %add3A_127 = arith.addi %add3A_103, %add3A_126 : i32
        %dma_start3A_128 = arith.constant 1 : i32
        %dma_start3A_129 = arith.constant 1 : i32
        %dma_start3A_130 = arith.constant 0 : i32
        %dma_start3A_131 = arith.constant 0 : i32
        %dma_start3A_132 = tpu.memref_slice %arg10[%dma_start3A_128, %dma_start3A_130, %dma_start3A_131] : memref<2x128x128xf32, #tpu.memory_space<vmem>> -> memref<1x128x128xf32, #tpu.memory_space<vmem>>
        %dma_start3A_133 = tpu.memref_squeeze %dma_start3A_132 : memref<1x128x128xf32, #tpu.memory_space<vmem>> -> memref<128x128xf32, #tpu.memory_space<vmem>>
        %dma_start3A_134 = arith.constant 0 : i32
        %dma_start3A_135 = tpu.memref_slice %arg8[%add3A_127, %dma_start3A_134] : memref<40x128xi32, #tpu.memory_space<vmem>> -> memref<1x128xi32, #tpu.memory_space<vmem>>
        %dma_start3A_136 = tpu.memref_squeeze %dma_start3A_135 : memref<1x128xi32, #tpu.memory_space<vmem>> -> memref<128xi32, #tpu.memory_space<vmem>>
        %dma_start3A_137 = arith.constant 0 : i32
        %dma_start3A_138 = arith.constant 0 : i32
        %dma_start3A_139 = tpu.memref_slice %arg2[%dma_start3A_137, %dma_start3A_138] : memref<10240x128xf32, #tpu.memory_space<hbm>> -> memref<10240x128xf32, #tpu.memory_space<hbm>>
        %dma_start3A_140 = tpu.memref_slice %arg11[%dma_start3A_129] : memref<2x!tpu.dma_semaphore, #tpu.memory_space<semaphore_mem>> -> memref<1x!tpu.dma_semaphore, #tpu.memory_space<semaphore_mem>>
        %dma_start3A_141 = tpu.memref_squeeze %dma_start3A_140 : memref<1x!tpu.dma_semaphore, #tpu.memory_space<semaphore_mem>> -> memref<!tpu.dma_semaphore, #tpu.memory_space<semaphore_mem>>
        tpu.enqueue_indirect_dma source(%dma_start3A_139 : memref<10240x128xf32, #tpu.memory_space<hbm>>) target(%dma_start3A_133 : memref<128x128xf32, #tpu.memory_space<vmem>>) offsets(%dma_start3A_136 : memref<128xi32, #tpu.memory_space<vmem>>) semaphore(%dma_start3A_141 : memref<!tpu.dma_semaphore, #tpu.memory_space<semaphore_mem>>)
      } else {
      }
    }
    %scan3A_36 = arith.constant 20 : i32
    "tpu.region"() ({
      %run_scoped3A = tpu.sem_alloc : memref<!tpu.dma_semaphore, #tpu.memory_space<semaphore_mem>>
      %dma_start3A_78 = arith.constant 40 : i32
      %dma_start3A_79 = arith.constant 0 : i32
      %dma_start3A_80 = tpu.memref_slice %arg3[%add3A, %dma_start3A_78, %dma_start3A_79] : memref<32x80x128xi32, #tpu.memory_space<hbm>> -> memref<1x40x128xi32, #tpu.memory_space<hbm>>
      %dma_start3A_81 = tpu.memref_squeeze %dma_start3A_80 : memref<1x40x128xi32, #tpu.memory_space<hbm>> -> memref<40x128xi32, #tpu.memory_space<hbm>>
      %dma_start3A_82 = arith.constant 40 : i32
      %dma_start3A_83 = arith.constant 0 : i32
      %dma_start3A_84 = tpu.memref_slice %arg3[%add3A, %dma_start3A_82, %dma_start3A_83] : memref<32x80x128xi32, #tpu.memory_space<hbm>> -> memref<1x40x128xi32, #tpu.memory_space<hbm>>
      %dma_start3A_85 = tpu.memref_squeeze %dma_start3A_84 : memref<1x40x128xi32, #tpu.memory_space<hbm>> -> memref<40x128xi32, #tpu.memory_space<hbm>>
      tpu.enqueue_dma source(%dma_start3A_85 : memref<40x128xi32, #tpu.memory_space<hbm>>) target(%arg8 : memref<40x128xi32, #tpu.memory_space<vmem>>) target_semaphore(%run_scoped3A : memref<!tpu.dma_semaphore, #tpu.memory_space<semaphore_mem>>)
      %dma_wait3A = arith.constant 40 : i32
      %dma_wait3A_86 = arith.constant 0 : i32
      %dma_wait3A_87 = tpu.memref_slice %arg3[%add3A, %dma_wait3A, %dma_wait3A_86] : memref<32x80x128xi32, #tpu.memory_space<hbm>> -> memref<1x40x128xi32, #tpu.memory_space<hbm>>
      %dma_wait3A_88 = tpu.memref_squeeze %dma_wait3A_87 : memref<1x40x128xi32, #tpu.memory_space<hbm>> -> memref<40x128xi32, #tpu.memory_space<hbm>>
      %dma_wait3A_89 = arith.constant 40 : i32
      %dma_wait3A_90 = arith.constant 0 : i32
      %dma_wait3A_91 = tpu.memref_slice %arg3[%add3A, %dma_wait3A_89, %dma_wait3A_90] : memref<32x80x128xi32, #tpu.memory_space<hbm>> -> memref<1x40x128xi32, #tpu.memory_space<hbm>>
      %dma_wait3A_92 = tpu.memref_squeeze %dma_wait3A_91 : memref<1x40x128xi32, #tpu.memory_space<hbm>> -> memref<40x128xi32, #tpu.memory_space<hbm>>
      tpu.wait_dma2 semaphore(%run_scoped3A : memref<!tpu.dma_semaphore, #tpu.memory_space<semaphore_mem>>) src(%dma_wait3A_92 : memref<40x128xi32, #tpu.memory_space<hbm>>) dst(%arg8 : memref<40x128xi32, #tpu.memory_space<vmem>>)
      tpu.yield
    }) : () -> ()
    "tpu.region"() ({
      %run_scoped3A = tpu.sem_alloc : memref<!tpu.dma_semaphore, #tpu.memory_space<semaphore_mem>>
      %dma_start3A_78 = arith.constant 40 : i32
      %dma_start3A_79 = arith.constant 0 : i32
      %dma_start3A_80 = tpu.memref_slice %arg4[%add3A, %dma_start3A_78, %dma_start3A_79] : memref<32x80x128xi32, #tpu.memory_space<hbm>> -> memref<1x40x128xi32, #tpu.memory_space<hbm>>
      %dma_start3A_81 = tpu.memref_squeeze %dma_start3A_80 : memref<1x40x128xi32, #tpu.memory_space<hbm>> -> memref<40x128xi32, #tpu.memory_space<hbm>>
      %dma_start3A_82 = arith.constant 40 : i32
      %dma_start3A_83 = arith.constant 0 : i32
      %dma_start3A_84 = tpu.memref_slice %arg4[%add3A, %dma_start3A_82, %dma_start3A_83] : memref<32x80x128xi32, #tpu.memory_space<hbm>> -> memref<1x40x128xi32, #tpu.memory_space<hbm>>
      %dma_start3A_85 = tpu.memref_squeeze %dma_start3A_84 : memref<1x40x128xi32, #tpu.memory_space<hbm>> -> memref<40x128xi32, #tpu.memory_space<hbm>>
      tpu.enqueue_dma source(%dma_start3A_85 : memref<40x128xi32, #tpu.memory_space<hbm>>) target(%arg9 : memref<40x128xi32, #tpu.memory_space<vmem>>) target_semaphore(%run_scoped3A : memref<!tpu.dma_semaphore, #tpu.memory_space<semaphore_mem>>)
      %dma_wait3A = arith.constant 40 : i32
      %dma_wait3A_86 = arith.constant 0 : i32
      %dma_wait3A_87 = tpu.memref_slice %arg4[%add3A, %dma_wait3A, %dma_wait3A_86] : memref<32x80x128xi32, #tpu.memory_space<hbm>> -> memref<1x40x128xi32, #tpu.memory_space<hbm>>
      %dma_wait3A_88 = tpu.memref_squeeze %dma_wait3A_87 : memref<1x40x128xi32, #tpu.memory_space<hbm>> -> memref<40x128xi32, #tpu.memory_space<hbm>>
      %dma_wait3A_89 = arith.constant 40 : i32
      %dma_wait3A_90 = arith.constant 0 : i32
      %dma_wait3A_91 = tpu.memref_slice %arg4[%add3A, %dma_wait3A_89, %dma_wait3A_90] : memref<32x80x128xi32, #tpu.memory_space<hbm>> -> memref<1x40x128xi32, #tpu.memory_space<hbm>>
      %dma_wait3A_92 = tpu.memref_squeeze %dma_wait3A_91 : memref<1x40x128xi32, #tpu.memory_space<hbm>> -> memref<40x128xi32, #tpu.memory_space<hbm>>
      tpu.wait_dma2 semaphore(%run_scoped3A : memref<!tpu.dma_semaphore, #tpu.memory_space<semaphore_mem>>) src(%dma_wait3A_92 : memref<40x128xi32, #tpu.memory_space<hbm>>) dst(%arg9 : memref<40x128xi32, #tpu.memory_space<vmem>>)
      tpu.yield
    }) : () -> ()
    %dma_start3A_37 = arith.constant 0 : i32
    %dma_start3A_38 = arith.constant 0 : i32
    %dma_start3A_39 = arith.constant 0 : i32
    %dma_start3A_40 = arith.constant 0 : i32
    %dma_start3A_41 = arith.constant 0 : i32
    %dma_start3A_42 = tpu.memref_slice %arg10[%dma_start3A_38, %dma_start3A_40, %dma_start3A_41] : memref<2x128x128xf32, #tpu.memory_space<vmem>> -> memref<1x128x128xf32, #tpu.memory_space<vmem>>
    %dma_start3A_43 = tpu.memref_squeeze %dma_start3A_42 : memref<1x128x128xf32, #tpu.memory_space<vmem>> -> memref<128x128xf32, #tpu.memory_space<vmem>>
    %dma_start3A_44 = arith.constant 0 : i32
    %dma_start3A_45 = tpu.memref_slice %arg8[%dma_start3A_37, %dma_start3A_44] : memref<40x128xi32, #tpu.memory_space<vmem>> -> memref<1x128xi32, #tpu.memory_space<vmem>>
    %dma_start3A_46 = tpu.memref_squeeze %dma_start3A_45 : memref<1x128xi32, #tpu.memory_space<vmem>> -> memref<128xi32, #tpu.memory_space<vmem>>
    %dma_start3A_47 = arith.constant 0 : i32
    %dma_start3A_48 = arith.constant 0 : i32
    %dma_start3A_49 = tpu.memref_slice %arg2[%dma_start3A_47, %dma_start3A_48] : memref<10240x128xf32, #tpu.memory_space<hbm>> -> memref<10240x128xf32, #tpu.memory_space<hbm>>
    %dma_start3A_50 = tpu.memref_slice %arg11[%dma_start3A_39] : memref<2x!tpu.dma_semaphore, #tpu.memory_space<semaphore_mem>> -> memref<1x!tpu.dma_semaphore, #tpu.memory_space<semaphore_mem>>
    %dma_start3A_51 = tpu.memref_squeeze %dma_start3A_50 : memref<1x!tpu.dma_semaphore, #tpu.memory_space<semaphore_mem>> -> memref<!tpu.dma_semaphore, #tpu.memory_space<semaphore_mem>>
    tpu.enqueue_indirect_dma source(%dma_start3A_49 : memref<10240x128xf32, #tpu.memory_space<hbm>>) target(%dma_start3A_43 : memref<128x128xf32, #tpu.memory_space<vmem>>) offsets(%dma_start3A_46 : memref<128xi32, #tpu.memory_space<vmem>>) semaphore(%dma_start3A_51 : memref<!tpu.dma_semaphore, #tpu.memory_space<semaphore_mem>>)
    %dma_start3A_52 = arith.constant 1 : i32
    %dma_start3A_53 = arith.constant 1 : i32
    %dma_start3A_54 = arith.constant 1 : i32
    %dma_start3A_55 = arith.constant 0 : i32
    %dma_start3A_56 = arith.constant 0 : i32
    %dma_start3A_57 = tpu.memref_slice %arg10[%dma_start3A_53, %dma_start3A_55, %dma_start3A_56] : memref<2x128x128xf32, #tpu.memory_space<vmem>> -> memref<1x128x128xf32, #tpu.memory_space<vmem>>
    %dma_start3A_58 = tpu.memref_squeeze %dma_start3A_57 : memref<1x128x128xf32, #tpu.memory_space<vmem>> -> memref<128x128xf32, #tpu.memory_space<vmem>>
    %dma_start3A_59 = arith.constant 0 : i32
    %dma_start3A_60 = tpu.memref_slice %arg8[%dma_start3A_52, %dma_start3A_59] : memref<40x128xi32, #tpu.memory_space<vmem>> -> memref<1x128xi32, #tpu.memory_space<vmem>>
    %dma_start3A_61 = tpu.memref_squeeze %dma_start3A_60 : memref<1x128xi32, #tpu.memory_space<vmem>> -> memref<128xi32, #tpu.memory_space<vmem>>
    %dma_start3A_62 = arith.constant 0 : i32
    %dma_start3A_63 = arith.constant 0 : i32
    %dma_start3A_64 = tpu.memref_slice %arg2[%dma_start3A_62, %dma_start3A_63] : memref<10240x128xf32, #tpu.memory_space<hbm>> -> memref<10240x128xf32, #tpu.memory_space<hbm>>
    %dma_start3A_65 = tpu.memref_slice %arg11[%dma_start3A_54] : memref<2x!tpu.dma_semaphore, #tpu.memory_space<semaphore_mem>> -> memref<1x!tpu.dma_semaphore, #tpu.memory_space<semaphore_mem>>
    %dma_start3A_66 = tpu.memref_squeeze %dma_start3A_65 : memref<1x!tpu.dma_semaphore, #tpu.memory_space<semaphore_mem>> -> memref<!tpu.dma_semaphore, #tpu.memory_space<semaphore_mem>>
    tpu.enqueue_indirect_dma source(%dma_start3A_64 : memref<10240x128xf32, #tpu.memory_space<hbm>>) target(%dma_start3A_58 : memref<128x128xf32, #tpu.memory_space<vmem>>) offsets(%dma_start3A_61 : memref<128xi32, #tpu.memory_space<vmem>>) semaphore(%dma_start3A_66 : memref<!tpu.dma_semaphore, #tpu.memory_space<semaphore_mem>>)
    %scan3A_67 = arith.constant 0 : i32
    %scan3A_68 = arith.constant 0 : i32
    %scan3A_69 = arith.constant 20 : i32
    %scan3A_70 = arith.addi %scan3A_68, %scan3A_69 : i32
    %scan3A_71 = arith.constant 1 : i32
    scf.for %scan3A_78 = %scan3A_68 to %scan3A_70 step %scan3A_71  : i32 {
      %mul3A_79 = arith.constant 2 : i32
      %mul3A_80 = arith.muli %scan3A_78, %mul3A_79 : i32
      %add3A_81 = arith.constant 0 : i32
      %add3A_82 = arith.addi %mul3A_80, %add3A_81 : i32
      %dma_wait3A = arith.constant 0 : i32
      %dma_wait3A_83 = arith.constant 0 : i32
      %dma_wait3A_84 = arith.constant 0 : i32
      %dma_wait3A_85 = arith.constant 0 : i32
      %dma_wait3A_86 = tpu.memref_slice %arg10[%dma_wait3A, %dma_wait3A_84, %dma_wait3A_85] : memref<2x128x128xf32, #tpu.memory_space<vmem>> -> memref<1x128x128xf32, #tpu.memory_space<vmem>>
      %dma_wait3A_87 = tpu.memref_squeeze %dma_wait3A_86 : memref<1x128x128xf32, #tpu.memory_space<vmem>> -> memref<128x128xf32, #tpu.memory_space<vmem>>
      %dma_wait3A_88 = arith.constant 0 : i32
      %dma_wait3A_89 = tpu.memref_slice %arg8[%add3A_82, %dma_wait3A_88] : memref<40x128xi32, #tpu.memory_space<vmem>> -> memref<1x128xi32, #tpu.memory_space<vmem>>
      %dma_wait3A_90 = tpu.memref_squeeze %dma_wait3A_89 : memref<1x128xi32, #tpu.memory_space<vmem>> -> memref<128xi32, #tpu.memory_space<vmem>>
      %dma_wait3A_91 = arith.constant 0 : i32
      %dma_wait3A_92 = arith.constant 0 : i32
      %dma_wait3A_93 = tpu.memref_slice %arg2[%dma_wait3A_91, %dma_wait3A_92] : memref<10240x128xf32, #tpu.memory_space<hbm>> -> memref<10240x128xf32, #tpu.memory_space<hbm>>
      %dma_wait3A_94 = tpu.memref_slice %arg11[%dma_wait3A_83] : memref<2x!tpu.dma_semaphore, #tpu.memory_space<semaphore_mem>> -> memref<1x!tpu.dma_semaphore, #tpu.memory_space<semaphore_mem>>
      %dma_wait3A_95 = tpu.memref_squeeze %dma_wait3A_94 : memref<1x!tpu.dma_semaphore, #tpu.memory_space<semaphore_mem>> -> memref<!tpu.dma_semaphore, #tpu.memory_space<semaphore_mem>>
      tpu.wait_indirect_dma semaphore(%dma_wait3A_95 : memref<!tpu.dma_semaphore, #tpu.memory_space<semaphore_mem>>) src(%dma_wait3A_93 : memref<10240x128xf32, #tpu.memory_space<hbm>>) dst(%dma_wait3A_87 : memref<128x128xf32, #tpu.memory_space<vmem>>)
      %run_scoped3A = arith.constant 0 : i32
      "tpu.region"() ({
        %run_scoped3A_126 = tpu.sem_alloc : memref<!tpu.dma_semaphore, #tpu.memory_space<semaphore_mem>>
        %dma_start3A_127 = arith.constant 0 : i32
        %dma_start3A_128 = arith.constant 0 : i32
        %dma_start3A_129 = tpu.memref_slice %arg10[%run_scoped3A, %dma_start3A_127, %dma_start3A_128] : memref<2x128x128xf32, #tpu.memory_space<vmem>> -> memref<1x128x128xf32, #tpu.memory_space<vmem>>
        %dma_start3A_130 = tpu.memref_squeeze %dma_start3A_129 : memref<1x128x128xf32, #tpu.memory_space<vmem>> -> memref<128x128xf32, #tpu.memory_space<vmem>>
        %dma_start3A_131 = arith.constant 0 : i32
        %dma_start3A_132 = tpu.memref_slice %arg9[%add3A_82, %dma_start3A_131] : memref<40x128xi32, #tpu.memory_space<vmem>> -> memref<1x128xi32, #tpu.memory_space<vmem>>
        %dma_start3A_133 = tpu.memref_squeeze %dma_start3A_132 : memref<1x128xi32, #tpu.memory_space<vmem>> -> memref<128xi32, #tpu.memory_space<vmem>>
        %dma_start3A_134 = arith.constant 0 : i32
        %dma_start3A_135 = arith.constant 0 : i32
        %dma_start3A_136 = tpu.memref_slice %arg7[%dma_start3A_134, %dma_start3A_135] : memref<10240x128xf32, #tpu.memory_space<vmem_shared>> -> memref<10240x128xf32, #tpu.memory_space<vmem_shared>>
        tpu.enqueue_indirect_dma source(%dma_start3A_130 : memref<128x128xf32, #tpu.memory_space<vmem>>) target(%dma_start3A_136 : memref<10240x128xf32, #tpu.memory_space<vmem_shared>>) offsets(%dma_start3A_133 : memref<128xi32, #tpu.memory_space<vmem>>) semaphore(%run_scoped3A_126 : memref<!tpu.dma_semaphore, #tpu.memory_space<semaphore_mem>>) {add = true}
        %dma_wait3A_137 = arith.constant 0 : i32
        %dma_wait3A_138 = arith.constant 0 : i32
        %dma_wait3A_139 = tpu.memref_slice %arg10[%run_scoped3A, %dma_wait3A_137, %dma_wait3A_138] : memref<2x128x128xf32, #tpu.memory_space<vmem>> -> memref<1x128x128xf32, #tpu.memory_space<vmem>>
        %dma_wait3A_140 = tpu.memref_squeeze %dma_wait3A_139 : memref<1x128x128xf32, #tpu.memory_space<vmem>> -> memref<128x128xf32, #tpu.memory_space<vmem>>
        %dma_wait3A_141 = arith.constant 0 : i32
        %dma_wait3A_142 = tpu.memref_slice %arg9[%add3A_82, %dma_wait3A_141] : memref<40x128xi32, #tpu.memory_space<vmem>> -> memref<1x128xi32, #tpu.memory_space<vmem>>
        %dma_wait3A_143 = tpu.memref_squeeze %dma_wait3A_142 : memref<1x128xi32, #tpu.memory_space<vmem>> -> memref<128xi32, #tpu.memory_space<vmem>>
        %dma_wait3A_144 = arith.constant 0 : i32
        %dma_wait3A_145 = arith.constant 0 : i32
        %dma_wait3A_146 = tpu.memref_slice %arg7[%dma_wait3A_144, %dma_wait3A_145] : memref<10240x128xf32, #tpu.memory_space<vmem_shared>> -> memref<10240x128xf32, #tpu.memory_space<vmem_shared>>
        tpu.wait_indirect_dma semaphore(%run_scoped3A_126 : memref<!tpu.dma_semaphore, #tpu.memory_space<semaphore_mem>>) src(%dma_wait3A_140 : memref<128x128xf32, #tpu.memory_space<vmem>>) dst(%dma_wait3A_146 : memref<10240x128xf32, #tpu.memory_space<vmem_shared>>)
        tpu.yield
      }) : () -> ()
      %add3A_96 = arith.constant 2 : i32
      %add3A_97 = arith.addi %add3A_82, %add3A_96 : i32
      %lt3A = arith.constant 40 : i32
      %lt3A_98 = arith.cmpi slt, %add3A_97, %lt3A : i32
      %convert_element_type3A = arith.extui %lt3A_98 : i1 to i32
      %cond3A = arith.constant 0 : i32
      %cond3A_99 = arith.cmpi ne, %convert_element_type3A, %cond3A : i32
      scf.if %cond3A_99 {
        %add3A_126 = arith.constant 2 : i32
        %add3A_127 = arith.addi %add3A_82, %add3A_126 : i32
        %dma_start3A_128 = arith.constant 0 : i32
        %dma_start3A_129 = arith.constant 0 : i32
        %dma_start3A_130 = arith.constant 0 : i32
        %dma_start3A_131 = arith.constant 0 : i32
        %dma_start3A_132 = tpu.memref_slice %arg10[%dma_start3A_128, %dma_start3A_130, %dma_start3A_131] : memref<2x128x128xf32, #tpu.memory_space<vmem>> -> memref<1x128x128xf32, #tpu.memory_space<vmem>>
        %dma_start3A_133 = tpu.memref_squeeze %dma_start3A_132 : memref<1x128x128xf32, #tpu.memory_space<vmem>> -> memref<128x128xf32, #tpu.memory_space<vmem>>
        %dma_start3A_134 = arith.constant 0 : i32
        %dma_start3A_135 = tpu.memref_slice %arg8[%add3A_127, %dma_start3A_134] : memref<40x128xi32, #tpu.memory_space<vmem>> -> memref<1x128xi32, #tpu.memory_space<vmem>>
        %dma_start3A_136 = tpu.memref_squeeze %dma_start3A_135 : memref<1x128xi32, #tpu.memory_space<vmem>> -> memref<128xi32, #tpu.memory_space<vmem>>
        %dma_start3A_137 = arith.constant 0 : i32
        %dma_start3A_138 = arith.constant 0 : i32
        %dma_start3A_139 = tpu.memref_slice %arg2[%dma_start3A_137, %dma_start3A_138] : memref<10240x128xf32, #tpu.memory_space<hbm>> -> memref<10240x128xf32, #tpu.memory_space<hbm>>
        %dma_start3A_140 = tpu.memref_slice %arg11[%dma_start3A_129] : memref<2x!tpu.dma_semaphore, #tpu.memory_space<semaphore_mem>> -> memref<1x!tpu.dma_semaphore, #tpu.memory_space<semaphore_mem>>
        %dma_start3A_141 = tpu.memref_squeeze %dma_start3A_140 : memref<1x!tpu.dma_semaphore, #tpu.memory_space<semaphore_mem>> -> memref<!tpu.dma_semaphore, #tpu.memory_space<semaphore_mem>>
        tpu.enqueue_indirect_dma source(%dma_start3A_139 : memref<10240x128xf32, #tpu.memory_space<hbm>>) target(%dma_start3A_133 : memref<128x128xf32, #tpu.memory_space<vmem>>) offsets(%dma_start3A_136 : memref<128xi32, #tpu.memory_space<vmem>>) semaphore(%dma_start3A_141 : memref<!tpu.dma_semaphore, #tpu.memory_space<semaphore_mem>>)
      } else {
      }
      %mul3A_100 = arith.constant 2 : i32
      %mul3A_101 = arith.muli %scan3A_78, %mul3A_100 : i32
      %add3A_102 = arith.constant 1 : i32
      %add3A_103 = arith.addi %mul3A_101, %add3A_102 : i32
      %dma_wait3A_104 = arith.constant 1 : i32
      %dma_wait3A_105 = arith.constant 1 : i32
      %dma_wait3A_106 = arith.constant 0 : i32
      %dma_wait3A_107 = arith.constant 0 : i32
      %dma_wait3A_108 = tpu.memref_slice %arg10[%dma_wait3A_104, %dma_wait3A_106, %dma_wait3A_107] : memref<2x128x128xf32, #tpu.memory_space<vmem>> -> memref<1x128x128xf32, #tpu.memory_space<vmem>>
      %dma_wait3A_109 = tpu.memref_squeeze %dma_wait3A_108 : memref<1x128x128xf32, #tpu.memory_space<vmem>> -> memref<128x128xf32, #tpu.memory_space<vmem>>
      %dma_wait3A_110 = arith.constant 0 : i32
      %dma_wait3A_111 = tpu.memref_slice %arg8[%add3A_103, %dma_wait3A_110] : memref<40x128xi32, #tpu.memory_space<vmem>> -> memref<1x128xi32, #tpu.memory_space<vmem>>
      %dma_wait3A_112 = tpu.memref_squeeze %dma_wait3A_111 : memref<1x128xi32, #tpu.memory_space<vmem>> -> memref<128xi32, #tpu.memory_space<vmem>>
      %dma_wait3A_113 = arith.constant 0 : i32
      %dma_wait3A_114 = arith.constant 0 : i32
      %dma_wait3A_115 = tpu.memref_slice %arg2[%dma_wait3A_113, %dma_wait3A_114] : memref<10240x128xf32, #tpu.memory_space<hbm>> -> memref<10240x128xf32, #tpu.memory_space<hbm>>
      %dma_wait3A_116 = tpu.memref_slice %arg11[%dma_wait3A_105] : memref<2x!tpu.dma_semaphore, #tpu.memory_space<semaphore_mem>> -> memref<1x!tpu.dma_semaphore, #tpu.memory_space<semaphore_mem>>
      %dma_wait3A_117 = tpu.memref_squeeze %dma_wait3A_116 : memref<1x!tpu.dma_semaphore, #tpu.memory_space<semaphore_mem>> -> memref<!tpu.dma_semaphore, #tpu.memory_space<semaphore_mem>>
      tpu.wait_indirect_dma semaphore(%dma_wait3A_117 : memref<!tpu.dma_semaphore, #tpu.memory_space<semaphore_mem>>) src(%dma_wait3A_115 : memref<10240x128xf32, #tpu.memory_space<hbm>>) dst(%dma_wait3A_109 : memref<128x128xf32, #tpu.memory_space<vmem>>)
      %run_scoped3A_118 = arith.constant 1 : i32
      "tpu.region"() ({
        %run_scoped3A_126 = tpu.sem_alloc : memref<!tpu.dma_semaphore, #tpu.memory_space<semaphore_mem>>
        %dma_start3A_127 = arith.constant 0 : i32
        %dma_start3A_128 = arith.constant 0 : i32
        %dma_start3A_129 = tpu.memref_slice %arg10[%run_scoped3A_118, %dma_start3A_127, %dma_start3A_128] : memref<2x128x128xf32, #tpu.memory_space<vmem>> -> memref<1x128x128xf32, #tpu.memory_space<vmem>>
        %dma_start3A_130 = tpu.memref_squeeze %dma_start3A_129 : memref<1x128x128xf32, #tpu.memory_space<vmem>> -> memref<128x128xf32, #tpu.memory_space<vmem>>
        %dma_start3A_131 = arith.constant 0 : i32
        %dma_start3A_132 = tpu.memref_slice %arg9[%add3A_103, %dma_start3A_131] : memref<40x128xi32, #tpu.memory_space<vmem>> -> memref<1x128xi32, #tpu.memory_space<vmem>>
        %dma_start3A_133 = tpu.memref_squeeze %dma_start3A_132 : memref<1x128xi32, #tpu.memory_space<vmem>> -> memref<128xi32, #tpu.memory_space<vmem>>
        %dma_start3A_134 = arith.constant 0 : i32
        %dma_start3A_135 = arith.constant 0 : i32
        %dma_start3A_136 = tpu.memref_slice %arg7[%dma_start3A_134, %dma_start3A_135] : memref<10240x128xf32, #tpu.memory_space<vmem_shared>> -> memref<10240x128xf32, #tpu.memory_space<vmem_shared>>
        tpu.enqueue_indirect_dma source(%dma_start3A_130 : memref<128x128xf32, #tpu.memory_space<vmem>>) target(%dma_start3A_136 : memref<10240x128xf32, #tpu.memory_space<vmem_shared>>) offsets(%dma_start3A_133 : memref<128xi32, #tpu.memory_space<vmem>>) semaphore(%run_scoped3A_126 : memref<!tpu.dma_semaphore, #tpu.memory_space<semaphore_mem>>) {add = true}
        %dma_wait3A_137 = arith.constant 0 : i32
        %dma_wait3A_138 = arith.constant 0 : i32
        %dma_wait3A_139 = tpu.memref_slice %arg10[%run_scoped3A_118, %dma_wait3A_137, %dma_wait3A_138] : memref<2x128x128xf32, #tpu.memory_space<vmem>> -> memref<1x128x128xf32, #tpu.memory_space<vmem>>
        %dma_wait3A_140 = tpu.memref_squeeze %dma_wait3A_139 : memref<1x128x128xf32, #tpu.memory_space<vmem>> -> memref<128x128xf32, #tpu.memory_space<vmem>>
        %dma_wait3A_141 = arith.constant 0 : i32
        %dma_wait3A_142 = tpu.memref_slice %arg9[%add3A_103, %dma_wait3A_141] : memref<40x128xi32, #tpu.memory_space<vmem>> -> memref<1x128xi32, #tpu.memory_space<vmem>>
        %dma_wait3A_143 = tpu.memref_squeeze %dma_wait3A_142 : memref<1x128xi32, #tpu.memory_space<vmem>> -> memref<128xi32, #tpu.memory_space<vmem>>
        %dma_wait3A_144 = arith.constant 0 : i32
        %dma_wait3A_145 = arith.constant 0 : i32
        %dma_wait3A_146 = tpu.memref_slice %arg7[%dma_wait3A_144, %dma_wait3A_145] : memref<10240x128xf32, #tpu.memory_space<vmem_shared>> -> memref<10240x128xf32, #tpu.memory_space<vmem_shared>>
        tpu.wait_indirect_dma semaphore(%run_scoped3A_126 : memref<!tpu.dma_semaphore, #tpu.memory_space<semaphore_mem>>) src(%dma_wait3A_140 : memref<128x128xf32, #tpu.memory_space<vmem>>) dst(%dma_wait3A_146 : memref<10240x128xf32, #tpu.memory_space<vmem_shared>>)
        tpu.yield
      }) : () -> ()
      %add3A_119 = arith.constant 2 : i32
      %add3A_120 = arith.addi %add3A_103, %add3A_119 : i32
      %lt3A_121 = arith.constant 40 : i32
      %lt3A_122 = arith.cmpi slt, %add3A_120, %lt3A_121 : i32
      %convert_element_type3A_123 = arith.extui %lt3A_122 : i1 to i32
      %cond3A_124 = arith.constant 0 : i32
      %cond3A_125 = arith.cmpi ne, %convert_element_type3A_123, %cond3A_124 : i32
      scf.if %cond3A_125 {
        %add3A_126 = arith.constant 2 : i32
        %add3A_127 = arith.addi %add3A_103, %add3A_126 : i32
        %dma_start3A_128 = arith.constant 1 : i32
        %dma_start3A_129 = arith.constant 1 : i32
        %dma_start3A_130 = arith.constant 0 : i32
        %dma_start3A_131 = arith.constant 0 : i32
        %dma_start3A_132 = tpu.memref_slice %arg10[%dma_start3A_128, %dma_start3A_130, %dma_start3A_131] : memref<2x128x128xf32, #tpu.memory_space<vmem>> -> memref<1x128x128xf32, #tpu.memory_space<vmem>>
        %dma_start3A_133 = tpu.memref_squeeze %dma_start3A_132 : memref<1x128x128xf32, #tpu.memory_space<vmem>> -> memref<128x128xf32, #tpu.memory_space<vmem>>
        %dma_start3A_134 = arith.constant 0 : i32
        %dma_start3A_135 = tpu.memref_slice %arg8[%add3A_127, %dma_start3A_134] : memref<40x128xi32, #tpu.memory_space<vmem>> -> memref<1x128xi32, #tpu.memory_space<vmem>>
        %dma_start3A_136 = tpu.memref_squeeze %dma_start3A_135 : memref<1x128xi32, #tpu.memory_space<vmem>> -> memref<128xi32, #tpu.memory_space<vmem>>
        %dma_start3A_137 = arith.constant 0 : i32
        %dma_start3A_138 = arith.constant 0 : i32
        %dma_start3A_139 = tpu.memref_slice %arg2[%dma_start3A_137, %dma_start3A_138] : memref<10240x128xf32, #tpu.memory_space<hbm>> -> memref<10240x128xf32, #tpu.memory_space<hbm>>
        %dma_start3A_140 = tpu.memref_slice %arg11[%dma_start3A_129] : memref<2x!tpu.dma_semaphore, #tpu.memory_space<semaphore_mem>> -> memref<1x!tpu.dma_semaphore, #tpu.memory_space<semaphore_mem>>
        %dma_start3A_141 = tpu.memref_squeeze %dma_start3A_140 : memref<1x!tpu.dma_semaphore, #tpu.memory_space<semaphore_mem>> -> memref<!tpu.dma_semaphore, #tpu.memory_space<semaphore_mem>>
        tpu.enqueue_indirect_dma source(%dma_start3A_139 : memref<10240x128xf32, #tpu.memory_space<hbm>>) target(%dma_start3A_133 : memref<128x128xf32, #tpu.memory_space<vmem>>) offsets(%dma_start3A_136 : memref<128xi32, #tpu.memory_space<vmem>>) semaphore(%dma_start3A_141 : memref<!tpu.dma_semaphore, #tpu.memory_space<semaphore_mem>>)
      } else {
      }
    }
    %scan3A_72 = arith.constant 20 : i32
    %barrier3A_73 = arith.constant 0 : index
    tpu.barrier barrier_id(%barrier3A_73)
    %mul3A_74 = arith.constant 640 : i32
    %mul3A_75 = arith.muli %arg1, %mul3A_74 : i32
    %mul3A_76 = arith.constant 640 : i32
    %mul3A_77 = arith.muli %arg1, %mul3A_76 : i32
    "tpu.region"() ({
      %run_scoped3A = tpu.sem_alloc : memref<!tpu.dma_semaphore, #tpu.memory_space<semaphore_mem>>
      %dma_start3A_78 = arith.constant 0 : i32
      %dma_start3A_79 = tpu.memref_slice %arg6[%arg0, %mul3A_77, %dma_start3A_78] : memref<2x10240x128xf32, #tpu.memory_space<hbm>> -> memref<1x640x128xf32, #tpu.memory_space<hbm>>
      %dma_start3A_80 = tpu.memref_squeeze %dma_start3A_79 : memref<1x640x128xf32, #tpu.memory_space<hbm>> -> memref<640x128xf32, #tpu.memory_space<hbm>>
      %dma_start3A_81 = arith.constant 0 : i32
      %dma_start3A_82 = tpu.memref_slice %arg7[%mul3A_75, %dma_start3A_81] : memref<10240x128xf32, #tpu.memory_space<vmem_shared>> -> memref<640x128xf32, #tpu.memory_space<vmem_shared>>
      tpu.enqueue_dma source(%dma_start3A_82 : memref<640x128xf32, #tpu.memory_space<vmem_shared>>) target(%dma_start3A_80 : memref<640x128xf32, #tpu.memory_space<hbm>>) target_semaphore(%run_scoped3A : memref<!tpu.dma_semaphore, #tpu.memory_space<semaphore_mem>>)
      %dma_wait3A = arith.constant 0 : i32
      %dma_wait3A_83 = tpu.memref_slice %arg6[%arg0, %mul3A_77, %dma_wait3A] : memref<2x10240x128xf32, #tpu.memory_space<hbm>> -> memref<1x640x128xf32, #tpu.memory_space<hbm>>
      %dma_wait3A_84 = tpu.memref_squeeze %dma_wait3A_83 : memref<1x640x128xf32, #tpu.memory_space<hbm>> -> memref<640x128xf32, #tpu.memory_space<hbm>>
      %dma_wait3A_85 = arith.constant 0 : i32
      %dma_wait3A_86 = tpu.memref_slice %arg7[%mul3A_75, %dma_wait3A_85] : memref<10240x128xf32, #tpu.memory_space<vmem_shared>> -> memref<640x128xf32, #tpu.memory_space<vmem_shared>>
      tpu.wait_dma2 semaphore(%run_scoped3A : memref<!tpu.dma_semaphore, #tpu.memory_space<semaphore_mem>>) src(%dma_wait3A_86 : memref<640x128xf32, #tpu.memory_space<vmem_shared>>) dst(%dma_wait3A_84 : memref<640x128xf32, #tpu.memory_space<hbm>>)
      tpu.yield
    }) : () -> ()
    return
  }
}

#map = affine_map<(d0, d1) -> (0, 0, 0)>
#map1 = affine_map<(d0, d1) -> (0, 0)>
module attributes {stable_mosaic.version = 14 : i64} {
  func.func @body(%arg0: i32, %arg1: i32, %arg2: memref<32x80x128xi32, #tpu.memory_space<hbm>>, %arg3: memref<2x10240xf32, #tpu.memory_space<hbm>>, %arg4: memref<10240xf32, #tpu.memory_space<vmem>>, %arg5: memref<640xf32, #tpu.memory_space<vmem>>, %arg6: memref<2x80x128xi32, #tpu.memory_space<vmem>>, %arg7: memref<2x!tpu.dma_semaphore, #tpu.memory_space<semaphore_mem>>) attributes {dimension_semantics = [#tpu.dimension_semantics<core_parallel>, #tpu.dimension_semantics<subcore_parallel>], iteration_bounds = array<i64: 2, 16>, scalar_prefetch = 0 : i64, scratch_operands = 4 : i64, tpu.core_type = #tpu.core_type<sc_vector_subcore>, window_params = [{transform_indices = #map}, {transform_indices = #map1}]} {
    %mul3A = arith.constant 640 : i32
    %mul3A_0 = arith.muli %arg1, %mul3A : i32
    %broadcast_in_dim3A = arith.constant 0.000000e+00 : f32
    %broadcast_in_dim3A_1 = vector.broadcast %broadcast_in_dim3A : f32 to vector<16xf32>
    %broadcast_in_dim3A_2 = arith.constant 1.000000e+00 : f32
    %broadcast_in_dim3A_3 = vector.broadcast %broadcast_in_dim3A_2 : f32 to vector<16xf32>
    %iota3A = tpu.iota {dimensions = array<i32: 0>} : vector<16xi32>
    %scan3A = arith.constant 0 : i32
    %scan3A_4 = arith.constant 0 : i32
    %scan3A_5 = arith.constant 640 : i32
    %scan3A_6 = arith.addi %scan3A_4, %scan3A_5 : i32
    %scan3A_7 = arith.constant 1 : i32
    scf.for %scan3A_42 = %scan3A_4 to %scan3A_6 step %scan3A_7  : i32 {
      %mul3A_43 = arith.constant 16 : i32
      %mul3A_44 = arith.muli %scan3A_42, %mul3A_43 : i32
      %swap3A = arith.index_cast %mul3A_44 : i32 to index
      %swap3A_45 = tpu.vector_load %arg4[%swap3A] {strides = array<i32>} : memref<10240xf32, #tpu.memory_space<vmem>>, vector<16xf32>,
      tpu.vector_store %arg4[%swap3A], %broadcast_in_dim3A_1 {strides = array<i32>} : memref<10240xf32, #tpu.memory_space<vmem>>, vector<16xf32>,
    }
    %scan3A_8 = arith.constant 640 : i32
    %mul3A_9 = arith.constant 16 : i32
    %mul3A_10 = arith.muli %arg0, %mul3A_9 : i32
    %dma_start3A = arith.constant 0 : i32
    %dma_start3A_11 = arith.constant 0 : i32
    %dma_start3A_12 = arith.constant 0 : i32
    %dma_start3A_13 = arith.constant 0 : i32
    %dma_start3A_14 = tpu.memref_slice %arg6[%dma_start3A, %dma_start3A_12, %dma_start3A_13] : memref<2x80x128xi32, #tpu.memory_space<vmem>> -> memref<1x80x128xi32, #tpu.memory_space<vmem>>
    %dma_start3A_15 = tpu.memref_squeeze %dma_start3A_14 : memref<1x80x128xi32, #tpu.memory_space<vmem>> -> memref<80x128xi32, #tpu.memory_space<vmem>>
    %dma_start3A_16 = arith.constant 0 : i32
    %dma_start3A_17 = arith.constant 0 : i32
    %dma_start3A_18 = tpu.memref_slice %arg2[%mul3A_10, %dma_start3A_16, %dma_start3A_17] : memref<32x80x128xi32, #tpu.memory_space<hbm>> -> memref<1x80x128xi32, #tpu.memory_space<hbm>>
    %dma_start3A_19 = tpu.memref_squeeze %dma_start3A_18 : memref<1x80x128xi32, #tpu.memory_space<hbm>> -> memref<80x128xi32, #tpu.memory_space<hbm>>
    %dma_start3A_20 = tpu.memref_slice %arg7[%dma_start3A_11] : memref<2x!tpu.dma_semaphore, #tpu.memory_space<semaphore_mem>> -> memref<1x!tpu.dma_semaphore, #tpu.memory_space<semaphore_mem>>
    %dma_start3A_21 = tpu.memref_squeeze %dma_start3A_20 : memref<1x!tpu.dma_semaphore, #tpu.memory_space<semaphore_mem>> -> memref<!tpu.dma_semaphore, #tpu.memory_space<semaphore_mem>>
    %dma_start3A_22 = arith.constant 0 : i32
    %dma_start3A_23 = arith.constant 0 : i32
    %dma_start3A_24 = tpu.memref_slice %arg6[%dma_start3A, %dma_start3A_22, %dma_start3A_23] : memref<2x80x128xi32, #tpu.memory_space<vmem>> -> memref<1x80x128xi32, #tpu.memory_space<vmem>>
    %dma_start3A_25 = tpu.memref_squeeze %dma_start3A_24 : memref<1x80x128xi32, #tpu.memory_space<vmem>> -> memref<80x128xi32, #tpu.memory_space<vmem>>
    %dma_start3A_26 = arith.constant 0 : i32
    %dma_start3A_27 = arith.constant 0 : i32
    %dma_start3A_28 = tpu.memref_slice %arg2[%mul3A_10, %dma_start3A_26, %dma_start3A_27] : memref<32x80x128xi32, #tpu.memory_space<hbm>> -> memref<1x80x128xi32, #tpu.memory_space<hbm>>
    %dma_start3A_29 = tpu.memref_squeeze %dma_start3A_28 : memref<1x80x128xi32, #tpu.memory_space<hbm>> -> memref<80x128xi32, #tpu.memory_space<hbm>>
    tpu.enqueue_dma source(%dma_start3A_29 : memref<80x128xi32, #tpu.memory_space<hbm>>) target(%dma_start3A_25 : memref<80x128xi32, #tpu.memory_space<vmem>>) target_semaphore(%dma_start3A_21 : memref<!tpu.dma_semaphore, #tpu.memory_space<semaphore_mem>>)
    %scan3A_30 = arith.constant 0 : i32
    %scan3A_31 = arith.constant 0 : i32
    %scan3A_32 = arith.constant 16 : i32
    %scan3A_33 = arith.addi %scan3A_31, %scan3A_32 : i32
    %scan3A_34 = arith.constant 1 : i32
    scf.for %scan3A_42 = %scan3A_31 to %scan3A_33 step %scan3A_34  : i32 {
      %jit3A = arith.constant 2 : i32
      %eq3A = arith.constant 0 : i32
      %eq3A_43 = arith.cmpi eq, %jit3A, %eq3A : i32
      %jit3A_44 = arith.constant 1 : i32
      %select_n3A = arith.select %eq3A_43, %jit3A_44, %jit3A : i32
      %rem3A = arith.remsi %scan3A_42, %select_n3A : i32
      %ne3A = arith.constant 0 : i32
      %ne3A_45 = arith.cmpi ne, %rem3A, %ne3A : i32
      %lt3A = arith.constant 0 : i32
      %lt3A_46 = arith.cmpi slt, %rem3A, %lt3A : i32
      %lt3A_47 = arith.constant 0 : i32
      %lt3A_48 = arith.cmpi slt, %select_n3A, %lt3A_47 : i32
      %ne3A_49 = arith.xori %lt3A_46, %lt3A_48 : i1
      %and3A = arith.andi %ne3A_49, %ne3A_45 : i1
      %add3A = arith.addi %rem3A, %select_n3A : i32
      %select_n3A_50 = arith.select %and3A, %add3A, %rem3A : i32
      %mul3A_51 = arith.constant 16 : i32
      %mul3A_52 = arith.muli %arg0, %mul3A_51 : i32
      %add3A_53 = arith.addi %mul3A_52, %scan3A_42 : i32
      %dma_wait3A = arith.constant 0 : i32
      %dma_wait3A_54 = arith.constant 0 : i32
      %dma_wait3A_55 = tpu.memref_slice %arg6[%select_n3A_50, %dma_wait3A, %dma_wait3A_54] : memref<2x80x128xi32, #tpu.memory_space<vmem>> -> memref<1x80x128xi32, #tpu.memory_space<vmem>>
      %dma_wait3A_56 = tpu.memref_squeeze %dma_wait3A_55 : memref<1x80x128xi32, #tpu.memory_space<vmem>> -> memref<80x128xi32, #tpu.memory_space<vmem>>
      %dma_wait3A_57 = arith.constant 0 : i32
      %dma_wait3A_58 = arith.constant 0 : i32
      %dma_wait3A_59 = tpu.memref_slice %arg2[%add3A_53, %dma_wait3A_57, %dma_wait3A_58] : memref<32x80x128xi32, #tpu.memory_space<hbm>> -> memref<1x80x128xi32, #tpu.memory_space<hbm>>
      %dma_wait3A_60 = tpu.memref_squeeze %dma_wait3A_59 : memref<1x80x128xi32, #tpu.memory_space<hbm>> -> memref<80x128xi32, #tpu.memory_space<hbm>>
      %dma_wait3A_61 = tpu.memref_slice %arg7[%select_n3A_50] : memref<2x!tpu.dma_semaphore, #tpu.memory_space<semaphore_mem>> -> memref<1x!tpu.dma_semaphore, #tpu.memory_space<semaphore_mem>>
      %dma_wait3A_62 = tpu.memref_squeeze %dma_wait3A_61 : memref<1x!tpu.dma_semaphore, #tpu.memory_space<semaphore_mem>> -> memref<!tpu.dma_semaphore, #tpu.memory_space<semaphore_mem>>
      %dma_wait3A_63 = arith.constant 0 : i32
      %dma_wait3A_64 = arith.constant 0 : i32
      %dma_wait3A_65 = tpu.memref_slice %arg6[%select_n3A_50, %dma_wait3A_63, %dma_wait3A_64] : memref<2x80x128xi32, #tpu.memory_space<vmem>> -> memref<1x80x128xi32, #tpu.memory_space<vmem>>
      %dma_wait3A_66 = tpu.memref_squeeze %dma_wait3A_65 : memref<1x80x128xi32, #tpu.memory_space<vmem>> -> memref<80x128xi32, #tpu.memory_space<vmem>>
      %dma_wait3A_67 = arith.constant 0 : i32
      %dma_wait3A_68 = arith.constant 0 : i32
      %dma_wait3A_69 = tpu.memref_slice %arg2[%add3A_53, %dma_wait3A_67, %dma_wait3A_68] : memref<32x80x128xi32, #tpu.memory_space<hbm>> -> memref<1x80x128xi32, #tpu.memory_space<hbm>>
      %dma_wait3A_70 = tpu.memref_squeeze %dma_wait3A_69 : memref<1x80x128xi32, #tpu.memory_space<hbm>> -> memref<80x128xi32, #tpu.memory_space<hbm>>
      tpu.wait_dma2 semaphore(%dma_wait3A_62 : memref<!tpu.dma_semaphore, #tpu.memory_space<semaphore_mem>>) src(%dma_wait3A_70 : memref<80x128xi32, #tpu.memory_space<hbm>>) dst(%dma_wait3A_66 : memref<80x128xi32, #tpu.memory_space<vmem>>)
      %add3A_71 = arith.constant 1 : i32
      %add3A_72 = arith.addi %scan3A_42, %add3A_71 : i32
      %lt3A_73 = arith.constant 16 : i32
      %lt3A_74 = arith.cmpi slt, %add3A_72, %lt3A_73 : i32
      %convert_element_type3A = arith.extui %lt3A_74 : i1 to i32
      %cond3A = arith.constant 0 : i32
      %cond3A_75 = arith.cmpi ne, %convert_element_type3A, %cond3A : i32
      scf.if %cond3A_75 {
        %mul3A_81 = arith.constant 16 : i32
        %mul3A_82 = arith.muli %arg0, %mul3A_81 : i32
        %add3A_83 = arith.addi %mul3A_82, %scan3A_42 : i32
        %add3A_84 = arith.constant 1 : i32
        %add3A_85 = arith.addi %add3A_83, %add3A_84 : i32
        %sub3A = arith.constant 1 : i32
        %sub3A_86 = arith.subi %sub3A, %select_n3A_50 : i32
        %sub3A_87 = arith.constant 1 : i32
        %sub3A_88 = arith.subi %sub3A_87, %select_n3A_50 : i32
        %dma_start3A_89 = arith.constant 0 : i32
        %dma_start3A_90 = arith.constant 0 : i32
        %dma_start3A_91 = tpu.memref_slice %arg6[%sub3A_86, %dma_start3A_89, %dma_start3A_90] : memref<2x80x128xi32, #tpu.memory_space<vmem>> -> memref<1x80x128xi32, #tpu.memory_space<vmem>>
        %dma_start3A_92 = tpu.memref_squeeze %dma_start3A_91 : memref<1x80x128xi32, #tpu.memory_space<vmem>> -> memref<80x128xi32, #tpu.memory_space<vmem>>
        %dma_start3A_93 = arith.constant 0 : i32
        %dma_start3A_94 = arith.constant 0 : i32
        %dma_start3A_95 = tpu.memref_slice %arg2[%add3A_85, %dma_start3A_93, %dma_start3A_94] : memref<32x80x128xi32, #tpu.memory_space<hbm>> -> memref<1x80x128xi32, #tpu.memory_space<hbm>>
        %dma_start3A_96 = tpu.memref_squeeze %dma_start3A_95 : memref<1x80x128xi32, #tpu.memory_space<hbm>> -> memref<80x128xi32, #tpu.memory_space<hbm>>
        %dma_start3A_97 = tpu.memref_slice %arg7[%sub3A_88] : memref<2x!tpu.dma_semaphore, #tpu.memory_space<semaphore_mem>> -> memref<1x!tpu.dma_semaphore, #tpu.memory_space<semaphore_mem>>
        %dma_start3A_98 = tpu.memref_squeeze %dma_start3A_97 : memref<1x!tpu.dma_semaphore, #tpu.memory_space<semaphore_mem>> -> memref<!tpu.dma_semaphore, #tpu.memory_space<semaphore_mem>>
        %dma_start3A_99 = arith.constant 0 : i32
        %dma_start3A_100 = arith.constant 0 : i32
        %dma_start3A_101 = tpu.memref_slice %arg6[%sub3A_86, %dma_start3A_99, %dma_start3A_100] : memref<2x80x128xi32, #tpu.memory_space<vmem>> -> memref<1x80x128xi32, #tpu.memory_space<vmem>>
        %dma_start3A_102 = tpu.memref_squeeze %dma_start3A_101 : memref<1x80x128xi32, #tpu.memory_space<vmem>> -> memref<80x128xi32, #tpu.memory_space<vmem>>
        %dma_start3A_103 = arith.constant 0 : i32
        %dma_start3A_104 = arith.constant 0 : i32
        %dma_start3A_105 = tpu.memref_slice %arg2[%add3A_85, %dma_start3A_103, %dma_start3A_104] : memref<32x80x128xi32, #tpu.memory_space<hbm>> -> memref<1x80x128xi32, #tpu.memory_space<hbm>>
        %dma_start3A_106 = tpu.memref_squeeze %dma_start3A_105 : memref<1x80x128xi32, #tpu.memory_space<hbm>> -> memref<80x128xi32, #tpu.memory_space<hbm>>
        tpu.enqueue_dma source(%dma_start3A_106 : memref<80x128xi32, #tpu.memory_space<hbm>>) target(%dma_start3A_102 : memref<80x128xi32, #tpu.memory_space<vmem>>) target_semaphore(%dma_start3A_98 : memref<!tpu.dma_semaphore, #tpu.memory_space<semaphore_mem>>)
      } else {
      }
      %scan3A_76 = arith.constant 0 : i32
      %scan3A_77 = arith.constant 80 : i32
      %scan3A_78 = arith.addi %scan3A_76, %scan3A_77 : i32
      %scan3A_79 = arith.constant 1 : i32
      scf.for %scan3A_81 = %scan3A_76 to %scan3A_78 step %scan3A_79  : i32 {
        %get3A = arith.index_cast %select_n3A_50 : i32 to index
        %get3A_82 = arith.index_cast %scan3A_81 : i32 to index
        %get3A_83 = arith.constant 0 : index
        %get3A_84 = tpu.vector_load %arg6[%get3A, %get3A_82, %get3A_83] {strides = array<i32>} : memref<2x80x128xi32, #tpu.memory_space<vmem>>, vector<16xi32>,
        %sub3A = vector.broadcast %mul3A_0 : i32 to vector<16xi32>
        %sub3A_85 = arith.subi %get3A_84, %sub3A : vector<16xi32>
        %lt3A_86 = arith.constant 640 : i32
        %lt3A_87 = vector.broadcast %lt3A_86 : i32 to vector<16xi32>
        %lt3A_88 = arith.cmpi ult, %sub3A_85, %lt3A_87 : vector<16xi32>
        %mul3A_89 = arith.constant 640 : i32
        %mul3A_90 = vector.broadcast %mul3A_89 : i32 to vector<16xi32>
        %mul3A_91 = arith.muli %iota3A, %mul3A_90 : vector<16xi32>
        %add3A_92 = arith.addi %mul3A_91, %sub3A_85 : vector<16xi32>
        tpu.vector_store_idx %arg4[%add3A_92], %broadcast_in_dim3A_3 masked %lt3A_88 {add = true} : memref<10240xf32, #tpu.memory_space<vmem>>[vector<16xi32>], vector<16xf32>, vector<16xi1>
        %get3A_93 = arith.index_cast %select_n3A_50 : i32 to index
        %get3A_94 = arith.index_cast %scan3A_81 : i32 to index
        %get3A_95 = arith.constant 16 : index
        %get3A_96 = tpu.vector_load %arg6[%get3A_93, %get3A_94, %get3A_95] {strides = array<i32>} : memref<2x80x128xi32, #tpu.memory_space<vmem>>, vector<16xi32>,
        %sub3A_97 = vector.broadcast %mul3A_0 : i32 to vector<16xi32>
        %sub3A_98 = arith.subi %get3A_96, %sub3A_97 : vector<16xi32>
        %lt3A_99 = arith.constant 640 : i32
        %lt3A_100 = vector.broadcast %lt3A_99 : i32 to vector<16xi32>
        %lt3A_101 = arith.cmpi ult, %sub3A_98, %lt3A_100 : vector<16xi32>
        %mul3A_102 = arith.constant 640 : i32
        %mul3A_103 = vector.broadcast %mul3A_102 : i32 to vector<16xi32>
        %mul3A_104 = arith.muli %iota3A, %mul3A_103 : vector<16xi32>
        %add3A_105 = arith.addi %mul3A_104, %sub3A_98 : vector<16xi32>
        tpu.vector_store_idx %arg4[%add3A_105], %broadcast_in_dim3A_3 masked %lt3A_101 {add = true} : memref<10240xf32, #tpu.memory_space<vmem>>[vector<16xi32>], vector<16xf32>, vector<16xi1>
        %get3A_106 = arith.index_cast %select_n3A_50 : i32 to index
        %get3A_107 = arith.index_cast %scan3A_81 : i32 to index
        %get3A_108 = arith.constant 32 : index
        %get3A_109 = tpu.vector_load %arg6[%get3A_106, %get3A_107, %get3A_108] {strides = array<i32>} : memref<2x80x128xi32, #tpu.memory_space<vmem>>, vector<16xi32>,
        %sub3A_110 = vector.broadcast %mul3A_0 : i32 to vector<16xi32>
        %sub3A_111 = arith.subi %get3A_109, %sub3A_110 : vector<16xi32>
        %lt3A_112 = arith.constant 640 : i32
        %lt3A_113 = vector.broadcast %lt3A_112 : i32 to vector<16xi32>
        %lt3A_114 = arith.cmpi ult, %sub3A_111, %lt3A_113 : vector<16xi32>
        %mul3A_115 = arith.constant 640 : i32
        %mul3A_116 = vector.broadcast %mul3A_115 : i32 to vector<16xi32>
        %mul3A_117 = arith.muli %iota3A, %mul3A_116 : vector<16xi32>
        %add3A_118 = arith.addi %mul3A_117, %sub3A_111 : vector<16xi32>
        tpu.vector_store_idx %arg4[%add3A_118], %broadcast_in_dim3A_3 masked %lt3A_114 {add = true} : memref<10240xf32, #tpu.memory_space<vmem>>[vector<16xi32>], vector<16xf32>, vector<16xi1>
        %get3A_119 = arith.index_cast %select_n3A_50 : i32 to index
        %get3A_120 = arith.index_cast %scan3A_81 : i32 to index
        %get3A_121 = arith.constant 48 : index
        %get3A_122 = tpu.vector_load %arg6[%get3A_119, %get3A_120, %get3A_121] {strides = array<i32>} : memref<2x80x128xi32, #tpu.memory_space<vmem>>, vector<16xi32>,
        %sub3A_123 = vector.broadcast %mul3A_0 : i32 to vector<16xi32>
        %sub3A_124 = arith.subi %get3A_122, %sub3A_123 : vector<16xi32>
        %lt3A_125 = arith.constant 640 : i32
        %lt3A_126 = vector.broadcast %lt3A_125 : i32 to vector<16xi32>
        %lt3A_127 = arith.cmpi ult, %sub3A_124, %lt3A_126 : vector<16xi32>
        %mul3A_128 = arith.constant 640 : i32
        %mul3A_129 = vector.broadcast %mul3A_128 : i32 to vector<16xi32>
        %mul3A_130 = arith.muli %iota3A, %mul3A_129 : vector<16xi32>
        %add3A_131 = arith.addi %mul3A_130, %sub3A_124 : vector<16xi32>
        tpu.vector_store_idx %arg4[%add3A_131], %broadcast_in_dim3A_3 masked %lt3A_127 {add = true} : memref<10240xf32, #tpu.memory_space<vmem>>[vector<16xi32>], vector<16xf32>, vector<16xi1>
        %get3A_132 = arith.index_cast %select_n3A_50 : i32 to index
        %get3A_133 = arith.index_cast %scan3A_81 : i32 to index
        %get3A_134 = arith.constant 64 : index
        %get3A_135 = tpu.vector_load %arg6[%get3A_132, %get3A_133, %get3A_134] {strides = array<i32>} : memref<2x80x128xi32, #tpu.memory_space<vmem>>, vector<16xi32>,
        %sub3A_136 = vector.broadcast %mul3A_0 : i32 to vector<16xi32>
        %sub3A_137 = arith.subi %get3A_135, %sub3A_136 : vector<16xi32>
        %lt3A_138 = arith.constant 640 : i32
        %lt3A_139 = vector.broadcast %lt3A_138 : i32 to vector<16xi32>
        %lt3A_140 = arith.cmpi ult, %sub3A_137, %lt3A_139 : vector<16xi32>
        %mul3A_141 = arith.constant 640 : i32
        %mul3A_142 = vector.broadcast %mul3A_141 : i32 to vector<16xi32>
        %mul3A_143 = arith.muli %iota3A, %mul3A_142 : vector<16xi32>
        %add3A_144 = arith.addi %mul3A_143, %sub3A_137 : vector<16xi32>
        tpu.vector_store_idx %arg4[%add3A_144], %broadcast_in_dim3A_3 masked %lt3A_140 {add = true} : memref<10240xf32, #tpu.memory_space<vmem>>[vector<16xi32>], vector<16xf32>, vector<16xi1>
        %get3A_145 = arith.index_cast %select_n3A_50 : i32 to index
        %get3A_146 = arith.index_cast %scan3A_81 : i32 to index
        %get3A_147 = arith.constant 80 : index
        %get3A_148 = tpu.vector_load %arg6[%get3A_145, %get3A_146, %get3A_147] {strides = array<i32>} : memref<2x80x128xi32, #tpu.memory_space<vmem>>, vector<16xi32>,
        %sub3A_149 = vector.broadcast %mul3A_0 : i32 to vector<16xi32>
        %sub3A_150 = arith.subi %get3A_148, %sub3A_149 : vector<16xi32>
        %lt3A_151 = arith.constant 640 : i32
        %lt3A_152 = vector.broadcast %lt3A_151 : i32 to vector<16xi32>
        %lt3A_153 = arith.cmpi ult, %sub3A_150, %lt3A_152 : vector<16xi32>
        %mul3A_154 = arith.constant 640 : i32
        %mul3A_155 = vector.broadcast %mul3A_154 : i32 to vector<16xi32>
        %mul3A_156 = arith.muli %iota3A, %mul3A_155 : vector<16xi32>
        %add3A_157 = arith.addi %mul3A_156, %sub3A_150 : vector<16xi32>
        tpu.vector_store_idx %arg4[%add3A_157], %broadcast_in_dim3A_3 masked %lt3A_153 {add = true} : memref<10240xf32, #tpu.memory_space<vmem>>[vector<16xi32>], vector<16xf32>, vector<16xi1>
        %get3A_158 = arith.index_cast %select_n3A_50 : i32 to index
        %get3A_159 = arith.index_cast %scan3A_81 : i32 to index
        %get3A_160 = arith.constant 96 : index
        %get3A_161 = tpu.vector_load %arg6[%get3A_158, %get3A_159, %get3A_160] {strides = array<i32>} : memref<2x80x128xi32, #tpu.memory_space<vmem>>, vector<16xi32>,
        %sub3A_162 = vector.broadcast %mul3A_0 : i32 to vector<16xi32>
        %sub3A_163 = arith.subi %get3A_161, %sub3A_162 : vector<16xi32>
        %lt3A_164 = arith.constant 640 : i32
        %lt3A_165 = vector.broadcast %lt3A_164 : i32 to vector<16xi32>
        %lt3A_166 = arith.cmpi ult, %sub3A_163, %lt3A_165 : vector<16xi32>
        %mul3A_167 = arith.constant 640 : i32
        %mul3A_168 = vector.broadcast %mul3A_167 : i32 to vector<16xi32>
        %mul3A_169 = arith.muli %iota3A, %mul3A_168 : vector<16xi32>
        %add3A_170 = arith.addi %mul3A_169, %sub3A_163 : vector<16xi32>
        tpu.vector_store_idx %arg4[%add3A_170], %broadcast_in_dim3A_3 masked %lt3A_166 {add = true} : memref<10240xf32, #tpu.memory_space<vmem>>[vector<16xi32>], vector<16xf32>, vector<16xi1>
        %get3A_171 = arith.index_cast %select_n3A_50 : i32 to index
        %get3A_172 = arith.index_cast %scan3A_81 : i32 to index
        %get3A_173 = arith.constant 112 : index
        %get3A_174 = tpu.vector_load %arg6[%get3A_171, %get3A_172, %get3A_173] {strides = array<i32>} : memref<2x80x128xi32, #tpu.memory_space<vmem>>, vector<16xi32>,
        %sub3A_175 = vector.broadcast %mul3A_0 : i32 to vector<16xi32>
        %sub3A_176 = arith.subi %get3A_174, %sub3A_175 : vector<16xi32>
        %lt3A_177 = arith.constant 640 : i32
        %lt3A_178 = vector.broadcast %lt3A_177 : i32 to vector<16xi32>
        %lt3A_179 = arith.cmpi ult, %sub3A_176, %lt3A_178 : vector<16xi32>
        %mul3A_180 = arith.constant 640 : i32
        %mul3A_181 = vector.broadcast %mul3A_180 : i32 to vector<16xi32>
        %mul3A_182 = arith.muli %iota3A, %mul3A_181 : vector<16xi32>
        %add3A_183 = arith.addi %mul3A_182, %sub3A_176 : vector<16xi32>
        tpu.vector_store_idx %arg4[%add3A_183], %broadcast_in_dim3A_3 masked %lt3A_179 {add = true} : memref<10240xf32, #tpu.memory_space<vmem>>[vector<16xi32>], vector<16xf32>, vector<16xi1>
      }
      %scan3A_80 = arith.constant 80 : i32
    }
    %scan3A_35 = arith.constant 16 : i32
    %scan3A_36 = arith.constant 0 : i32
    %scan3A_37 = arith.constant 0 : i32
    %scan3A_38 = arith.constant 40 : i32
    %scan3A_39 = arith.addi %scan3A_37, %scan3A_38 : i32
    %scan3A_40 = arith.constant 1 : i32
    scf.for %scan3A_42 = %scan3A_37 to %scan3A_39 step %scan3A_40  : i32 {
      %mul3A_43 = arith.constant 16 : i32
      %mul3A_44 = arith.muli %scan3A_42, %mul3A_43 : i32
      %get3A = arith.index_cast %mul3A_44 : i32 to index
      %get3A_45 = tpu.vector_load %arg4[%get3A] {strides = array<i32>} : memref<10240xf32, #tpu.memory_space<vmem>>, vector<16xf32>,
      %mul3A_46 = arith.constant 16 : i32
      %mul3A_47 = arith.muli %scan3A_42, %mul3A_46 : i32
      %add3A = arith.constant 640 : i32
      %add3A_48 = arith.addi %add3A, %mul3A_47 : i32
      %get3A_49 = arith.index_cast %add3A_48 : i32 to index
      %get3A_50 = tpu.vector_load %arg4[%get3A_49] {strides = array<i32>} : memref<10240xf32, #tpu.memory_space<vmem>>, vector<16xf32>,
      %add3A_51 = arith.addf %get3A_45, %get3A_50 : vector<16xf32>
      %mul3A_52 = arith.constant 16 : i32
      %mul3A_53 = arith.muli %scan3A_42, %mul3A_52 : i32
      %add3A_54 = arith.constant 1280 : i32
      %add3A_55 = arith.addi %add3A_54, %mul3A_53 : i32
      %get3A_56 = arith.index_cast %add3A_55 : i32 to index
      %get3A_57 = tpu.vector_load %arg4[%get3A_56] {strides = array<i32>} : memref<10240xf32, #tpu.memory_space<vmem>>, vector<16xf32>,
      %add3A_58 = arith.addf %add3A_51, %get3A_57 : vector<16xf32>
      %mul3A_59 = arith.constant 16 : i32
      %mul3A_60 = arith.muli %scan3A_42, %mul3A_59 : i32
      %add3A_61 = arith.constant 1920 : i32
      %add3A_62 = arith.addi %add3A_61, %mul3A_60 : i32
      %get3A_63 = arith.index_cast %add3A_62 : i32 to index
      %get3A_64 = tpu.vector_load %arg4[%get3A_63] {strides = array<i32>} : memref<10240xf32, #tpu.memory_space<vmem>>, vector<16xf32>,
      %add3A_65 = arith.addf %add3A_58, %get3A_64 : vector<16xf32>
      %mul3A_66 = arith.constant 16 : i32
      %mul3A_67 = arith.muli %scan3A_42, %mul3A_66 : i32
      %add3A_68 = arith.constant 2560 : i32
      %add3A_69 = arith.addi %add3A_68, %mul3A_67 : i32
      %get3A_70 = arith.index_cast %add3A_69 : i32 to index
      %get3A_71 = tpu.vector_load %arg4[%get3A_70] {strides = array<i32>} : memref<10240xf32, #tpu.memory_space<vmem>>, vector<16xf32>,
      %add3A_72 = arith.addf %add3A_65, %get3A_71 : vector<16xf32>
      %mul3A_73 = arith.constant 16 : i32
      %mul3A_74 = arith.muli %scan3A_42, %mul3A_73 : i32
      %add3A_75 = arith.constant 3200 : i32
      %add3A_76 = arith.addi %add3A_75, %mul3A_74 : i32
      %get3A_77 = arith.index_cast %add3A_76 : i32 to index
      %get3A_78 = tpu.vector_load %arg4[%get3A_77] {strides = array<i32>} : memref<10240xf32, #tpu.memory_space<vmem>>, vector<16xf32>,
      %add3A_79 = arith.addf %add3A_72, %get3A_78 : vector<16xf32>
      %mul3A_80 = arith.constant 16 : i32
      %mul3A_81 = arith.muli %scan3A_42, %mul3A_80 : i32
      %add3A_82 = arith.constant 3840 : i32
      %add3A_83 = arith.addi %add3A_82, %mul3A_81 : i32
      %get3A_84 = arith.index_cast %add3A_83 : i32 to index
      %get3A_85 = tpu.vector_load %arg4[%get3A_84] {strides = array<i32>} : memref<10240xf32, #tpu.memory_space<vmem>>, vector<16xf32>,
      %add3A_86 = arith.addf %add3A_79, %get3A_85 : vector<16xf32>
      %mul3A_87 = arith.constant 16 : i32
      %mul3A_88 = arith.muli %scan3A_42, %mul3A_87 : i32
      %add3A_89 = arith.constant 4480 : i32
      %add3A_90 = arith.addi %add3A_89, %mul3A_88 : i32
      %get3A_91 = arith.index_cast %add3A_90 : i32 to index
      %get3A_92 = tpu.vector_load %arg4[%get3A_91] {strides = array<i32>} : memref<10240xf32, #tpu.memory_space<vmem>>, vector<16xf32>,
      %add3A_93 = arith.addf %add3A_86, %get3A_92 : vector<16xf32>
      %mul3A_94 = arith.constant 16 : i32
      %mul3A_95 = arith.muli %scan3A_42, %mul3A_94 : i32
      %add3A_96 = arith.constant 5120 : i32
      %add3A_97 = arith.addi %add3A_96, %mul3A_95 : i32
      %get3A_98 = arith.index_cast %add3A_97 : i32 to index
      %get3A_99 = tpu.vector_load %arg4[%get3A_98] {strides = array<i32>} : memref<10240xf32, #tpu.memory_space<vmem>>, vector<16xf32>,
      %add3A_100 = arith.addf %add3A_93, %get3A_99 : vector<16xf32>
      %mul3A_101 = arith.constant 16 : i32
      %mul3A_102 = arith.muli %scan3A_42, %mul3A_101 : i32
      %add3A_103 = arith.constant 5760 : i32
      %add3A_104 = arith.addi %add3A_103, %mul3A_102 : i32
      %get3A_105 = arith.index_cast %add3A_104 : i32 to index
      %get3A_106 = tpu.vector_load %arg4[%get3A_105] {strides = array<i32>} : memref<10240xf32, #tpu.memory_space<vmem>>, vector<16xf32>,
      %add3A_107 = arith.addf %add3A_100, %get3A_106 : vector<16xf32>
      %mul3A_108 = arith.constant 16 : i32
      %mul3A_109 = arith.muli %scan3A_42, %mul3A_108 : i32
      %add3A_110 = arith.constant 6400 : i32
      %add3A_111 = arith.addi %add3A_110, %mul3A_109 : i32
      %get3A_112 = arith.index_cast %add3A_111 : i32 to index
      %get3A_113 = tpu.vector_load %arg4[%get3A_112] {strides = array<i32>} : memref<10240xf32, #tpu.memory_space<vmem>>, vector<16xf32>,
      %add3A_114 = arith.addf %add3A_107, %get3A_113 : vector<16xf32>
      %mul3A_115 = arith.constant 16 : i32
      %mul3A_116 = arith.muli %scan3A_42, %mul3A_115 : i32
      %add3A_117 = arith.constant 7040 : i32
      %add3A_118 = arith.addi %add3A_117, %mul3A_116 : i32
      %get3A_119 = arith.index_cast %add3A_118 : i32 to index
      %get3A_120 = tpu.vector_load %arg4[%get3A_119] {strides = array<i32>} : memref<10240xf32, #tpu.memory_space<vmem>>, vector<16xf32>,
      %add3A_121 = arith.addf %add3A_114, %get3A_120 : vector<16xf32>
      %mul3A_122 = arith.constant 16 : i32
      %mul3A_123 = arith.muli %scan3A_42, %mul3A_122 : i32
      %add3A_124 = arith.constant 7680 : i32
      %add3A_125 = arith.addi %add3A_124, %mul3A_123 : i32
      %get3A_126 = arith.index_cast %add3A_125 : i32 to index
      %get3A_127 = tpu.vector_load %arg4[%get3A_126] {strides = array<i32>} : memref<10240xf32, #tpu.memory_space<vmem>>, vector<16xf32>,
      %add3A_128 = arith.addf %add3A_121, %get3A_127 : vector<16xf32>
      %mul3A_129 = arith.constant 16 : i32
      %mul3A_130 = arith.muli %scan3A_42, %mul3A_129 : i32
      %add3A_131 = arith.constant 8320 : i32
      %add3A_132 = arith.addi %add3A_131, %mul3A_130 : i32
      %get3A_133 = arith.index_cast %add3A_132 : i32 to index
      %get3A_134 = tpu.vector_load %arg4[%get3A_133] {strides = array<i32>} : memref<10240xf32, #tpu.memory_space<vmem>>, vector<16xf32>,
      %add3A_135 = arith.addf %add3A_128, %get3A_134 : vector<16xf32>
      %mul3A_136 = arith.constant 16 : i32
      %mul3A_137 = arith.muli %scan3A_42, %mul3A_136 : i32
      %add3A_138 = arith.constant 8960 : i32
      %add3A_139 = arith.addi %add3A_138, %mul3A_137 : i32
      %get3A_140 = arith.index_cast %add3A_139 : i32 to index
      %get3A_141 = tpu.vector_load %arg4[%get3A_140] {strides = array<i32>} : memref<10240xf32, #tpu.memory_space<vmem>>, vector<16xf32>,
      %add3A_142 = arith.addf %add3A_135, %get3A_141 : vector<16xf32>
      %mul3A_143 = arith.constant 16 : i32
      %mul3A_144 = arith.muli %scan3A_42, %mul3A_143 : i32
      %add3A_145 = arith.constant 9600 : i32
      %add3A_146 = arith.addi %add3A_145, %mul3A_144 : i32
      %get3A_147 = arith.index_cast %add3A_146 : i32 to index
      %get3A_148 = tpu.vector_load %arg4[%get3A_147] {strides = array<i32>} : memref<10240xf32, #tpu.memory_space<vmem>>, vector<16xf32>,
      %add3A_149 = arith.addf %add3A_142, %get3A_148 : vector<16xf32>
      %mul3A_150 = arith.constant 16 : i32
      %mul3A_151 = arith.muli %scan3A_42, %mul3A_150 : i32
      %swap3A = arith.index_cast %mul3A_151 : i32 to index
      %swap3A_152 = tpu.vector_load %arg5[%swap3A] {strides = array<i32>} : memref<640xf32, #tpu.memory_space<vmem>>, vector<16xf32>,
      tpu.vector_store %arg5[%swap3A], %add3A_149 {strides = array<i32>} : memref<640xf32, #tpu.memory_space<vmem>>, vector<16xf32>,
    }
    %scan3A_41 = arith.constant 40 : i32
    "tpu.region"() ({
      %run_scoped3A = tpu.sem_alloc : memref<!tpu.dma_semaphore, #tpu.memory_space<semaphore_mem>>
      %dma_start3A_42 = tpu.memref_slice %arg3[%arg0, %mul3A_0] : memref<2x10240xf32, #tpu.memory_space<hbm>> -> memref<1x640xf32, #tpu.memory_space<hbm>>
      %dma_start3A_43 = tpu.memref_squeeze %dma_start3A_42 : memref<1x640xf32, #tpu.memory_space<hbm>> -> memref<640xf32, #tpu.memory_space<hbm>>
      %dma_start3A_44 = tpu.memref_slice %arg3[%arg0, %mul3A_0] : memref<2x10240xf32, #tpu.memory_space<hbm>> -> memref<1x640xf32, #tpu.memory_space<hbm>>
      %dma_start3A_45 = tpu.memref_squeeze %dma_start3A_44 : memref<1x640xf32, #tpu.memory_space<hbm>> -> memref<640xf32, #tpu.memory_space<hbm>>
      tpu.enqueue_dma source(%arg5 : memref<640xf32, #tpu.memory_space<vmem>>) target(%dma_start3A_45 : memref<640xf32, #tpu.memory_space<hbm>>) target_semaphore(%run_scoped3A : memref<!tpu.dma_semaphore, #tpu.memory_space<semaphore_mem>>)
      %dma_wait3A = tpu.memref_slice %arg3[%arg0, %mul3A_0] : memref<2x10240xf32, #tpu.memory_space<hbm>> -> memref<1x640xf32, #tpu.memory_space<hbm>>
      %dma_wait3A_46 = tpu.memref_squeeze %dma_wait3A : memref<1x640xf32, #tpu.memory_space<hbm>> -> memref<640xf32, #tpu.memory_space<hbm>>
      %dma_wait3A_47 = tpu.memref_slice %arg3[%arg0, %mul3A_0] : memref<2x10240xf32, #tpu.memory_space<hbm>> -> memref<1x640xf32, #tpu.memory_space<hbm>>
      %dma_wait3A_48 = tpu.memref_squeeze %dma_wait3A_47 : memref<1x640xf32, #tpu.memory_space<hbm>> -> memref<640xf32, #tpu.memory_space<hbm>>
      tpu.wait_dma2 semaphore(%run_scoped3A : memref<!tpu.dma_semaphore, #tpu.memory_space<semaphore_mem>>) src(%arg5 : memref<640xf32, #tpu.memory_space<vmem>>) dst(%dma_wait3A_48 : memref<640xf32, #tpu.memory_space<hbm>>)
      tpu.yield
    }) : () -> ()
    return
  }
}

module attributes {stable_mosaic.version = 14 : i64} {
  func.func @body(%arg0: i32, %arg1: memref<1024x128xf32, #tpu.memory_space<vmem>>, %arg2: memref<128x128xf32, #tpu.memory_space<vmem>>, %arg3: memref<2x1024xf32, #tpu.memory_space<vmem>>, %arg4: memref<1024x128xf32, #tpu.memory_space<vmem>>) attributes {dimension_semantics = [#tpu.dimension_semantics<arbitrary>], iteration_bounds = array<i64: 10>, scalar_prefetch = 0 : i64, scratch_operands = 0 : i64, tpu.core_type = #tpu.core_type<tc>, window_params = [{transform_indices = @transform_0, window_bounds = array<i64: 1024, 128>}, {pipeline_mode = #tpu.pipeline_mode<synchronous>, transform_indices = @transform_1, window_bounds = array<i64: 128, 128>}, {transform_indices = @transform_2, window_bounds = array<i64: 2, 1024>}, {transform_indices = @transform_3, window_bounds = array<i64: 1024, 128>}]} {
    %get3A = arith.constant 0 : index
    %get3A_0 = arith.constant 0 : index
    %get3A_1 = vector.load %arg1[%get3A, %get3A_0] : memref<1024x128xf32, #tpu.memory_space<vmem>>, vector<1024x128xf32>
    %get3A_2 = arith.constant 0 : index
    %get3A_3 = arith.constant 0 : index
    %get3A_4 = vector.load %arg2[%get3A_2, %get3A_3] : memref<128x128xf32, #tpu.memory_space<vmem>>, vector<128x128xf32>
    %dot_general3A = arith.constant dense<0.000000e+00> : vector<1024x128xf32>
    %dot_general3A_5 = tpu.matmul %get3A_1, %get3A_4, %dot_general3A {dimension_numbers = #tpu.dot_dimension_numbers<[1], [0], [0], [1], [0, 0, 1, 1], [], []>, transpose_lhs_hint = false} : vector<1024x128xf32>, vector<128x128xf32>, vector<1024x128xf32> -> vector<1024x128xf32>
    %get3A_6 = arith.constant 0 : index
    %get3A_7 = arith.constant 0 : index
    %get3A_8 = vector.load %arg3[%get3A_6, %get3A_7] : memref<2x1024xf32, #tpu.memory_space<vmem>>, vector<1x1024xf32>
    %get3A_9 = vector.shape_cast %get3A_8 : vector<1x1024xf32> to vector<1024xf32>
    %get3A_10 = arith.constant 1 : index
    %get3A_11 = arith.constant 0 : index
    %get3A_12 = vector.load %arg3[%get3A_10, %get3A_11] : memref<2x1024xf32, #tpu.memory_space<vmem>>, vector<1x1024xf32>
    %get3A_13 = vector.shape_cast %get3A_12 : vector<1x1024xf32> to vector<1024xf32>
    %add3A = arith.addf %get3A_9, %get3A_13 : vector<1024xf32>
    %add3A_14 = arith.constant 1.000000e+00 : f32
    %add3A_15 = vector.broadcast %add3A_14 : f32 to vector<1024xf32>
    %add3A_16 = arith.addf %add3A_15, %add3A : vector<1024xf32>
    %rsqrt3A = math.rsqrt %add3A_16 : vector<1024xf32>
    %broadcast_in_dim3A = vector.shape_cast %rsqrt3A : vector<1024xf32> to vector<1024x1xf32>
    %mul3A = vector.broadcast %broadcast_in_dim3A : vector<1024x1xf32> to vector<1024x128xf32>
    %mul3A_17 = arith.mulf %dot_general3A_5, %mul3A : vector<1024x128xf32>
    %swap3A = arith.constant 0 : index
    %swap3A_18 = arith.constant 0 : index
    %swap3A_19 = vector.load %arg4[%swap3A, %swap3A_18] : memref<1024x128xf32, #tpu.memory_space<vmem>>, vector<1024x128xf32>
    tpu.vector_store %arg4[%swap3A, %swap3A_18], %mul3A_17 {strides = array<i32>} : memref<1024x128xf32, #tpu.memory_space<vmem>>, vector<1024x128xf32>,
    return
  }
  func.func @transform_0(%arg0: i32) -> (i32, i32) {
    %c0_i32 = arith.constant 0 : i32
    %c0_i32_0 = arith.constant 0 : i32
    return %arg0, %c0_i32 : i32, i32
  }
  func.func @transform_1(%arg0: i32) -> (i32, i32) {
    %c0_i32 = arith.constant 0 : i32
    %c0_i32_0 = arith.constant 0 : i32
    %c0_i32_1 = arith.constant 0 : i32
    return %c0_i32, %c0_i32_0 : i32, i32
  }
  func.func @transform_2(%arg0: i32) -> (i32, i32) {
    %c0_i32 = arith.constant 0 : i32
    %c0_i32_0 = arith.constant 0 : i32
    return %c0_i32, %arg0 : i32, i32
  }
  func.func @transform_3(%arg0: i32) -> (i32, i32) {
    %c0_i32 = arith.constant 0 : i32
    %c0_i32_0 = arith.constant 0 : i32
    return %arg0, %c0_i32 : i32, i32
  }
}

module attributes {stable_mosaic.version = 14 : i64} {
  func.func @body(%arg0: i32, %arg1: memref<2x2048x128xf32, #tpu.memory_space<vmem>>, %arg2: memref<2048x128xf32, #tpu.memory_space<vmem>>, %arg3: memref<2x2048xf32, #tpu.memory_space<vmem>>, %arg4: memref<1x128xf32, #tpu.memory_space<vmem>>, %arg5: memref<2048x128xf32, #tpu.memory_space<vmem>>, %arg6: memref<1x8x128xf32, #tpu.memory_space<vmem>>, %arg7: memref<1x8x128xf32, #tpu.memory_space<vmem>>) attributes {dimension_semantics = [#tpu.dimension_semantics<arbitrary>], iteration_bounds = array<i64: 5>, scalar_prefetch = 0 : i64, scratch_operands = 0 : i64, tpu.core_type = #tpu.core_type<tc>, window_params = [{transform_indices = @transform_0, window_bounds = array<i64: 2, 2048, 128>}, {transform_indices = @transform_1, window_bounds = array<i64: 2048, 128>}, {transform_indices = @transform_2, window_bounds = array<i64: 2, 2048>}, {pipeline_mode = #tpu.pipeline_mode<synchronous>, transform_indices = @transform_3, window_bounds = array<i64: 1, 128>}, {transform_indices = @transform_4, window_bounds = array<i64: 2048, 128>}, {transform_indices = @transform_5, window_bounds = array<i64: 1, 8, 128>}, {transform_indices = @transform_6, window_bounds = array<i64: 1, 8, 128>}]} {
    %get3A = arith.constant 0 : index
    %get3A_0 = arith.constant 0 : index
    %get3A_1 = vector.load %arg3[%get3A, %get3A_0] : memref<2x2048xf32, #tpu.memory_space<vmem>>, vector<1x2048xf32>
    %get3A_2 = vector.shape_cast %get3A_1 : vector<1x2048xf32> to vector<2048xf32>
    %get3A_3 = arith.constant 1 : index
    %get3A_4 = arith.constant 0 : index
    %get3A_5 = vector.load %arg3[%get3A_3, %get3A_4] : memref<2x2048xf32, #tpu.memory_space<vmem>>, vector<1x2048xf32>
    %get3A_6 = vector.shape_cast %get3A_5 : vector<1x2048xf32> to vector<2048xf32>
    %add3A = arith.addf %get3A_2, %get3A_6 : vector<2048xf32>
    %add3A_7 = arith.constant 1.000000e+00 : f32
    %add3A_8 = vector.broadcast %add3A_7 : f32 to vector<2048xf32>
    %add3A_9 = arith.addf %add3A_8, %add3A : vector<2048xf32>
    %rsqrt3A = math.rsqrt %add3A_9 : vector<2048xf32>
    %get3A_10 = arith.constant 0 : index
    %get3A_11 = arith.constant 0 : index
    %get3A_12 = arith.constant 0 : index
    %get3A_13 = vector.load %arg1[%get3A_10, %get3A_11, %get3A_12] : memref<2x2048x128xf32, #tpu.memory_space<vmem>>, vector<1x2048x128xf32>
    %get3A_14 = vector.shape_cast %get3A_13 : vector<1x2048x128xf32> to vector<2048x128xf32>
    %get3A_15 = arith.constant 1 : index
    %get3A_16 = arith.constant 0 : index
    %get3A_17 = arith.constant 0 : index
    %get3A_18 = vector.load %arg1[%get3A_15, %get3A_16, %get3A_17] : memref<2x2048x128xf32, #tpu.memory_space<vmem>>, vector<1x2048x128xf32>
    %get3A_19 = vector.shape_cast %get3A_18 : vector<1x2048x128xf32> to vector<2048x128xf32>
    %add3A_20 = arith.addf %get3A_14, %get3A_19 : vector<2048x128xf32>
    %get3A_21 = arith.constant 0 : index
    %get3A_22 = arith.constant 0 : index
    %get3A_23 = vector.load %arg2[%get3A_21, %get3A_22] : memref<2048x128xf32, #tpu.memory_space<vmem>>, vector<2048x128xf32>
    %add3A_24 = arith.addf %add3A_20, %get3A_23 : vector<2048x128xf32>
    %broadcast_in_dim3A = vector.shape_cast %rsqrt3A : vector<2048xf32> to vector<2048x1xf32>
    %mul3A = vector.broadcast %broadcast_in_dim3A : vector<2048x1xf32> to vector<2048x128xf32>
    %mul3A_25 = arith.mulf %add3A_24, %mul3A : vector<2048x128xf32>
    %get3A_26 = arith.constant 0 : index
    %get3A_27 = arith.constant 0 : index
    %get3A_28 = vector.load %arg4[%get3A_26, %get3A_27] : memref<1x128xf32, #tpu.memory_space<vmem>>, vector<1x128xf32>
    %add3A_29 = vector.broadcast %get3A_28 : vector<1x128xf32> to vector<2048x128xf32>
    %add3A_30 = arith.addf %mul3A_25, %add3A_29 : vector<2048x128xf32>
    %max3A = arith.constant 0.000000e+00 : f32
    %max3A_31 = vector.broadcast %max3A : f32 to vector<2048x128xf32>
    %max3A_32 = arith.maximumf %add3A_30, %max3A_31 : vector<2048x128xf32>
    %swap3A = arith.constant 0 : index
    %swap3A_33 = arith.constant 0 : index
    %swap3A_34 = vector.load %arg5[%swap3A, %swap3A_33] : memref<2048x128xf32, #tpu.memory_space<vmem>>, vector<2048x128xf32>
    tpu.vector_store %arg5[%swap3A, %swap3A_33], %max3A_32 {strides = array<i32>} : memref<2048x128xf32, #tpu.memory_space<vmem>>, vector<2048x128xf32>,
    %iota3A = tpu.iota {dimensions = array<i32: 0>} : vector<2048x128xi32>
    %mul3A_35 = arith.constant 2048 : i32
    %mul3A_36 = arith.muli %arg0, %mul3A_35 : i32
    %add3A_37 = vector.broadcast %mul3A_36 : i32 to vector<2048x128xi32>
    %add3A_38 = arith.addi %iota3A, %add3A_37 : vector<2048x128xi32>
    %lt3A = arith.constant 10000 : i32
    %lt3A_39 = vector.broadcast %lt3A : i32 to vector<2048x128xi32>
    %lt3A_40 = arith.cmpi slt, %add3A_38, %lt3A_39 : vector<2048x128xi32>
    %jit3A = arith.constant 0.000000e+00 : f32
    %broadcast_in_dim3A_41 = vector.broadcast %jit3A : f32 to vector<2048x128xf32>
    %select_n3A = arith.select %lt3A_40, %max3A_32, %broadcast_in_dim3A_41 : vector<2048x128xi1>, vector<2048x128xf32>
    %reduce_sum3A = arith.constant dense<0.000000e+00> : vector<128xf32>
    %reduce_sum3A_42 = vector.multi_reduction <add>, %select_n3A, %reduce_sum3A [0] : vector<2048x128xf32> to vector<128xf32>
    %broadcast_in_dim3A_43 = vector.shape_cast %reduce_sum3A_42 : vector<128xf32> to vector<1x1x128xf32>
    %broadcast_in_dim3A_44 = vector.shape_cast %broadcast_in_dim3A_43 : vector<1x1x128xf32> to vector<1x1x128xf32>
    %broadcast_in_dim3A_45 = vector.broadcast %broadcast_in_dim3A_44 : vector<1x1x128xf32> to vector<1x8x128xf32>
    %swap3A_46 = arith.constant 0 : index
    %swap3A_47 = arith.constant 0 : index
    %swap3A_48 = arith.constant 0 : index
    %swap3A_49 = vector.load %arg6[%swap3A_46, %swap3A_47, %swap3A_48] : memref<1x8x128xf32, #tpu.memory_space<vmem>>, vector<1x8x128xf32>
    tpu.vector_store %arg6[%swap3A_46, %swap3A_47, %swap3A_48], %broadcast_in_dim3A_45 {strides = array<i32>} : memref<1x8x128xf32, #tpu.memory_space<vmem>>, vector<1x8x128xf32>,
    %mul3A_50 = arith.mulf %select_n3A, %select_n3A : vector<2048x128xf32>
    %reduce_sum3A_51 = arith.constant dense<0.000000e+00> : vector<128xf32>
    %reduce_sum3A_52 = vector.multi_reduction <add>, %mul3A_50, %reduce_sum3A_51 [0] : vector<2048x128xf32> to vector<128xf32>
    %broadcast_in_dim3A_53 = vector.shape_cast %reduce_sum3A_52 : vector<128xf32> to vector<1x1x128xf32>
    %broadcast_in_dim3A_54 = vector.shape_cast %broadcast_in_dim3A_53 : vector<1x1x128xf32> to vector<1x1x128xf32>
    %broadcast_in_dim3A_55 = vector.broadcast %broadcast_in_dim3A_54 : vector<1x1x128xf32> to vector<1x8x128xf32>
    %swap3A_56 = arith.constant 0 : index
    %swap3A_57 = arith.constant 0 : index
    %swap3A_58 = arith.constant 0 : index
    %swap3A_59 = vector.load %arg7[%swap3A_56, %swap3A_57, %swap3A_58] : memref<1x8x128xf32, #tpu.memory_space<vmem>>, vector<1x8x128xf32>
    tpu.vector_store %arg7[%swap3A_56, %swap3A_57, %swap3A_58], %broadcast_in_dim3A_55 {strides = array<i32>} : memref<1x8x128xf32, #tpu.memory_space<vmem>>, vector<1x8x128xf32>,
    return
  }
  func.func @transform_0(%arg0: i32) -> (i32, i32, i32) {
    %c0_i32 = arith.constant 0 : i32
    %c0_i32_0 = arith.constant 0 : i32
    %c0_i32_1 = arith.constant 0 : i32
    return %c0_i32, %arg0, %c0_i32_0 : i32, i32, i32
  }
  func.func @transform_1(%arg0: i32) -> (i32, i32) {
    %c0_i32 = arith.constant 0 : i32
    %c0_i32_0 = arith.constant 0 : i32
    return %arg0, %c0_i32 : i32, i32
  }
  func.func @transform_2(%arg0: i32) -> (i32, i32) {
    %c0_i32 = arith.constant 0 : i32
    %c0_i32_0 = arith.constant 0 : i32
    return %c0_i32, %arg0 : i32, i32
  }
  func.func @transform_3(%arg0: i32) -> (i32, i32) {
    %c0_i32 = arith.constant 0 : i32
    %c0_i32_0 = arith.constant 0 : i32
    %c0_i32_1 = arith.constant 0 : i32
    return %c0_i32, %c0_i32_0 : i32, i32
  }
  func.func @transform_4(%arg0: i32) -> (i32, i32) {
    %c0_i32 = arith.constant 0 : i32
    %c0_i32_0 = arith.constant 0 : i32
    return %arg0, %c0_i32 : i32, i32
  }
  func.func @transform_5(%arg0: i32) -> (i32, i32, i32) {
    %c0_i32 = arith.constant 0 : i32
    %c0_i32_0 = arith.constant 0 : i32
    %c0_i32_1 = arith.constant 0 : i32
    return %arg0, %c0_i32, %c0_i32_0 : i32, i32, i32
  }
  func.func @transform_6(%arg0: i32) -> (i32, i32, i32) {
    %c0_i32 = arith.constant 0 : i32
    %c0_i32_0 = arith.constant 0 : i32
    %c0_i32_1 = arith.constant 0 : i32
    return %arg0, %c0_i32, %c0_i32_0 : i32, i32, i32
  }
}

module attributes {stable_mosaic.version = 14 : i64} {
  func.func @body(%arg0: i32, %arg1: memref<2000x128xf32, #tpu.memory_space<vmem>>, %arg2: memref<5x8x128xf32, #tpu.memory_space<vmem>>, %arg3: memref<5x8x128xf32, #tpu.memory_space<vmem>>, %arg4: memref<1x128xf32, #tpu.memory_space<vmem>>, %arg5: memref<1x128xf32, #tpu.memory_space<vmem>>, %arg6: memref<2000x128xf32, #tpu.memory_space<vmem>>) attributes {dimension_semantics = [#tpu.dimension_semantics<arbitrary>], iteration_bounds = array<i64: 5>, scalar_prefetch = 0 : i64, scratch_operands = 0 : i64, tpu.core_type = #tpu.core_type<tc>, window_params = [{transform_indices = @transform_0, window_bounds = array<i64: 2000, 128>}, {pipeline_mode = #tpu.pipeline_mode<synchronous>, transform_indices = @transform_1, window_bounds = array<i64: 5, 8, 128>}, {pipeline_mode = #tpu.pipeline_mode<synchronous>, transform_indices = @transform_2, window_bounds = array<i64: 5, 8, 128>}, {pipeline_mode = #tpu.pipeline_mode<synchronous>, transform_indices = @transform_3, window_bounds = array<i64: 1, 128>}, {pipeline_mode = #tpu.pipeline_mode<synchronous>, transform_indices = @transform_4, window_bounds = array<i64: 1, 128>}, {transform_indices = @transform_5, window_bounds = array<i64: 2000, 128>}]} {
    %get3A = arith.constant 0 : index
    %get3A_0 = arith.constant 0 : index
    %get3A_1 = arith.constant 0 : index
    %get3A_2 = vector.load %arg2[%get3A, %get3A_0, %get3A_1] : memref<5x8x128xf32, #tpu.memory_space<vmem>>, vector<5x1x128xf32>
    %get3A_3 = vector.shape_cast %get3A_2 : vector<5x1x128xf32> to vector<5x128xf32>
    %reduce_sum3A = arith.constant dense<0.000000e+00> : vector<128xf32>
    %reduce_sum3A_4 = vector.multi_reduction <add>, %get3A_3, %reduce_sum3A [0] : vector<5x128xf32> to vector<128xf32>
    %mul3A = arith.constant 9.99999974E-5 : f32
    %mul3A_5 = vector.broadcast %mul3A : f32 to vector<128xf32>
    %mul3A_6 = arith.mulf %reduce_sum3A_4, %mul3A_5 : vector<128xf32>
    %get3A_7 = arith.constant 0 : index
    %get3A_8 = arith.constant 0 : index
    %get3A_9 = arith.constant 0 : index
    %get3A_10 = vector.load %arg3[%get3A_7, %get3A_8, %get3A_9] : memref<5x8x128xf32, #tpu.memory_space<vmem>>, vector<5x1x128xf32>
    %get3A_11 = vector.shape_cast %get3A_10 : vector<5x1x128xf32> to vector<5x128xf32>
    %reduce_sum3A_12 = arith.constant dense<0.000000e+00> : vector<128xf32>
    %reduce_sum3A_13 = vector.multi_reduction <add>, %get3A_11, %reduce_sum3A_12 [0] : vector<5x128xf32> to vector<128xf32>
    %mul3A_14 = arith.constant 9.99999974E-5 : f32
    %mul3A_15 = vector.broadcast %mul3A_14 : f32 to vector<128xf32>
    %mul3A_16 = arith.mulf %reduce_sum3A_13, %mul3A_15 : vector<128xf32>
    %mul3A_17 = arith.mulf %mul3A_6, %mul3A_6 : vector<128xf32>
    %sub3A = arith.subf %mul3A_16, %mul3A_17 : vector<128xf32>
    %add3A = arith.constant 9.99999974E-6 : f32
    %add3A_18 = vector.broadcast %add3A : f32 to vector<128xf32>
    %add3A_19 = arith.addf %sub3A, %add3A_18 : vector<128xf32>
    %rsqrt3A = math.rsqrt %add3A_19 : vector<128xf32>
    %get3A_20 = arith.constant 0 : index
    %get3A_21 = arith.constant 0 : index
    %get3A_22 = vector.load %arg4[%get3A_20, %get3A_21] : memref<1x128xf32, #tpu.memory_space<vmem>>, vector<1x128xf32>
    %get3A_23 = vector.shape_cast %get3A_22 : vector<1x128xf32> to vector<128xf32>
    %mul3A_24 = arith.mulf %rsqrt3A, %get3A_23 : vector<128xf32>
    %get3A_25 = arith.constant 0 : index
    %get3A_26 = arith.constant 0 : index
    %get3A_27 = vector.load %arg1[%get3A_25, %get3A_26] : memref<2000x128xf32, #tpu.memory_space<vmem>>, vector<2000x128xf32>
    %broadcast_in_dim3A = vector.shape_cast %mul3A_6 : vector<128xf32> to vector<1x128xf32>
    %sub3A_28 = vector.broadcast %broadcast_in_dim3A : vector<1x128xf32> to vector<2000x128xf32>
    %sub3A_29 = arith.subf %get3A_27, %sub3A_28 : vector<2000x128xf32>
    %broadcast_in_dim3A_30 = vector.shape_cast %mul3A_24 : vector<128xf32> to vector<1x128xf32>
    %mul3A_31 = vector.broadcast %broadcast_in_dim3A_30 : vector<1x128xf32> to vector<2000x128xf32>
    %mul3A_32 = arith.mulf %sub3A_29, %mul3A_31 : vector<2000x128xf32>
    %get3A_33 = arith.constant 0 : index
    %get3A_34 = arith.constant 0 : index
    %get3A_35 = vector.load %arg5[%get3A_33, %get3A_34] : memref<1x128xf32, #tpu.memory_space<vmem>>, vector<1x128xf32>
    %add3A_36 = vector.broadcast %get3A_35 : vector<1x128xf32> to vector<2000x128xf32>
    %add3A_37 = arith.addf %mul3A_32, %add3A_36 : vector<2000x128xf32>
    %swap3A = arith.constant 0 : index
    %swap3A_38 = arith.constant 0 : index
    %swap3A_39 = vector.load %arg6[%swap3A, %swap3A_38] : memref<2000x128xf32, #tpu.memory_space<vmem>>, vector<2000x128xf32>
    tpu.vector_store %arg6[%swap3A, %swap3A_38], %add3A_37 {strides = array<i32>} : memref<2000x128xf32, #tpu.memory_space<vmem>>, vector<2000x128xf32>,
    return
  }
  func.func @transform_0(%arg0: i32) -> (i32, i32) {
    %c0_i32 = arith.constant 0 : i32
    %c0_i32_0 = arith.constant 0 : i32
    return %arg0, %c0_i32 : i32, i32
  }
  func.func @transform_1(%arg0: i32) -> (i32, i32, i32) {
    %c0_i32 = arith.constant 0 : i32
    %c0_i32_0 = arith.constant 0 : i32
    %c0_i32_1 = arith.constant 0 : i32
    %c0_i32_2 = arith.constant 0 : i32
    return %c0_i32, %c0_i32_0, %c0_i32_1 : i32, i32, i32
  }
  func.func @transform_2(%arg0: i32) -> (i32, i32, i32) {
    %c0_i32 = arith.constant 0 : i32
    %c0_i32_0 = arith.constant 0 : i32
    %c0_i32_1 = arith.constant 0 : i32
    %c0_i32_2 = arith.constant 0 : i32
    return %c0_i32, %c0_i32_0, %c0_i32_1 : i32, i32, i32
  }
  func.func @transform_3(%arg0: i32) -> (i32, i32) {
    %c0_i32 = arith.constant 0 : i32
    %c0_i32_0 = arith.constant 0 : i32
    %c0_i32_1 = arith.constant 0 : i32
    return %c0_i32, %c0_i32_0 : i32, i32
  }
  func.func @transform_4(%arg0: i32) -> (i32, i32) {
    %c0_i32 = arith.constant 0 : i32
    %c0_i32_0 = arith.constant 0 : i32
    %c0_i32_1 = arith.constant 0 : i32
    return %c0_i32, %c0_i32_0 : i32, i32
  }
  func.func @transform_5(%arg0: i32) -> (i32, i32) {
    %c0_i32 = arith.constant 0 : i32
    %c0_i32_0 = arith.constant 0 : i32
    return %arg0, %c0_i32 : i32, i32
  }
}

</mosaic_0001>

<sc_bundles>
// kernel: kernel.10.cloned.1.call-start
scs
__scs_entry_jumppad:
0x0: {  	(pc) =	sbr.rel $0x88, $3  }
0x1: {  	(tag) =	ssettag $0x0;
	lr =	simm.s32 $0x1  }
0x2: {  	[smem:$0x3F9B] =	sst lr;
	_ =	strace $0xD0000000  }
0x3: {  	_ = 	snop  }
0x4: {  	_ = 	snop  }
0x5: {  	_ = 	snop  }
0x6: {  	_ = 	snop  }
0x7: {  	_ = 	snop  }
__scs_overlays_trampoline_lowered:
0x8: {  	[smem:$0x3FAA] =	sst s0  }
0x9: {  	[smem:$0x3FAB] =	sst s1  }
0xa: {  	[smem:$0x3FAC] =	sst s2  }
0xb: {  	[smem:$0x3FAD] =	sst s3  }
0xc: {  	[smem:$0x3FAE] =	sst s4  }
0xd: {  	[smem:$0x3FAF] =	sst s5  }
0xe: {  	[smem:$0x3FB0] =	sst s6  }
0xf: {  	[smem:$0x3FB1] =	sst s7  }
0x10: {  	[smem:$0x3FB2] =	sst s8  }
0x11: {  	[smem:$0x3FB3] =	sst s9;
	s0 =	simm.s32 @!p0 $0x0  }
0x12: {  	s1 =	sld [smem:$0x3F99];
	s0 =	simm.s32 @p0 $0x1  }
0x13: {  	[smem:$0x3FB4] =	sst s0;
	s0 =	simm.s32 @!p1 $0x0  }
0x14: {  	s2 =	sld [smem:$0x3F98];
	s0 =	simm.s32 @p1 $0x1  }
0x15: {  	[smem:$0x3FB5] =	sst s0;
	s0 =	simm.s32 @!p2 $0x0  }
0x16: {  	s3 =	sld [smem:$0x3FDB];
	s0 =	simm.s32 @p2 $0x1  }
0x17: {  	s4 =	simm.s32 $0x1BF5;
	[smem:$0x3FB7] =	sst s0  }
0x18: {  	s0 =	sld [smem:$0x3F9A];
	_ =	swait.ge [sflag:s4], $0x0  }
0x19: {  	s7 =	sld [smem:$0x3F9B]  }
0x1a: {  	s8 =	sadd.s32 $0xFFFFE003, lr  }
0x1b: {  	s9 =	sadd.s32 $0xFFFFFEF7, lr;
	s5 =	simm.s32 $0xFFFFFFFF;
	p2 =	slt.u32 s8, $0xFFFFF086  }
0x1c: {  	p1 =	slt.u32 s9, $0xF7A;
	s5 =	simm.s32 @!p2 $0x0  }
0x1d: {  	s5 =	simm.s32 @p1 $0x1;
	p0 =	seq.s32 s7, s2  }
0x1e: {  	s7 =	smul.u32 @!p0 $0xF7A, s2;
	p2 =	seq.s32 @!p0 s5, $0x0  }
0x1f: {  	s9 =	smul.u32 $0xF7A, s1;
	s8 =	simm.s32 @!p0 $0x1BF5;
	p2 =	por !p2, p0  }
0x20: {  	[sflag:s8] =	ssyncset.s32 @!p0 $0xFFFFF086;
	s6 =	sadd.s32 @!p0 s3, s7;
	s7 =	simm.s32 @!p0 $0x108  }
0x21: {  	s3 =	sadd.s32 s3, s9;
	s6 =	sadd.s32 @!p0 $0x88, s6;
	s7 =	simm.s32 @p2 $0x1082  }
0x22: {  	[simem:s7], [sflag:s8] =	dma.local @!p0 [hbm:s6], $0xF7A  }
0x23: {  	s9 =	sor.u32 $0xD0000000, s2;
	s6 =	simm.s32 $0x108;
	_ =	swait.ge @!p0 [sflag:s8], $0x0  }
0x24: {  	s3 =	sadd.s32 $0x88, s3;
	s6 =	simm.s32 @!p1 $0x1082;
	[sflag:s4] =	ssyncset.s32 $0xFFFFF086  }
0x25: {  	[simem:s6], [sflag:s4] =	dma.local [hbm:s3], $0xF7A  }
0x26: {  	[smem:$0x3F9B] =	sst s1;
	(tag) =	ssettag s2;
	_ =	strace s9  }
0x27: {  	s1 =	sld [smem:$0x3FAB]  }
0x28: {  	s2 =	sld [smem:$0x3FAC]  }
0x29: {  	s4 =	sld [smem:$0x3FAE]  }
0x2a: {  	p0 =	seq.s32 s5, $0x0;
	s5 =	sld [smem:$0x3FAF]  }
0x2b: {  	s6 =	sld [smem:$0x3FB0]  }
0x2c: {  	s7 =	sld [smem:$0x3FB1]  }
0x2d: {  	s3 =	simm.s32 $0x108;
	s8 =	sld [smem:$0x3FB2]  }
0x2e: {  	s3 =	simm.s32 @!p0 $0x1082;
	s9 =	sld [smem:$0x3FB3]  }
0x2f: {  	lr =	sadd.s32 s0, s3;
	s0 =	sld [smem:$0x3FAA]  }
0x30: {  	s3 =	sld [smem:$0x3FAD]  }
0x31: {  	[smem:$0x3FB6] =	sst s10  }
0x32: {  	s10 =	sld [smem:$0x3FB4];
	_ =	sdelay $0x3  }
0x33: {  	p0 =	seq.s32 s10, $0x1;
	s10 =	sld [smem:$0x3FB6];
	_ =	sdelay $0x3  }
0x34: {  	[smem:$0x3FB6] =	sst s10  }
0x35: {  	s10 =	sld [smem:$0x3FB5];
	_ =	sdelay $0x3  }
0x36: {  	p1 =	seq.s32 s10, $0x1;
	s10 =	sld [smem:$0x3FB6];
	_ =	sdelay $0x3  }
0x37: {  	[smem:$0x3FB6] =	sst s10  }
0x38: {  	s10 =	sld [smem:$0x3FB7]  }
0x39: {  	_ = 	snop;
	(pc) =	sbr.ind lr, $3  }
0x3a: {  	_ = 	snop  }
0x3b: {  	_ = 	snop  }
0x3c: {  	p2 =	seq.s32 s10, $0x1;
	s10 =	sld [smem:$0x3FB6]  }
0x3d: {  	_ =	shalt  }
0x3e: {  	_ =	shalt  }
0x3f: {  	_ =	shalt  }
0x40: {  	_ =	shalt  }
0x41: {  	_ =	shalt  }
0x42: {  	_ =	shalt  }
0x43: {  	_ =	shalt  }
0x44: {  	_ =	shalt  }
0x45: {  	_ =	shalt  }
0x46: {  	_ =	shalt  }
0x47: {  	_ =	shalt  }
0x48: {  	_ =	shalt  }
0x49: {  	_ =	shalt  }
0x4a: {  	_ =	shalt  }
0x4b: {  	_ =	shalt  }
0x4c: {  	_ =	shalt  }
0x4d: {  	_ =	shalt  }
0x4e: {  	_ =	shalt  }
0x4f: {  	_ =	shalt  }
0x50: {  	_ =	shalt  }
0x51: {  	_ =	shalt  }
0x52: {  	_ =	shalt  }
0x53: {  	_ =	shalt  }
0x54: {  	_ =	shalt  }
0x55: {  	_ =	shalt  }
0x56: {  	_ =	shalt  }
0x57: {  	_ =	shalt  }
0x58: {  	_ =	shalt  }
0x59: {  	_ =	shalt  }
0x5a: {  	_ =	shalt  }
0x5b: {  	_ =	shalt  }
0x5c: {  	_ =	shalt  }
0x5d: {  	_ =	shalt  }
0x5e: {  	_ =	shalt  }
0x5f: {  	_ =	shalt  }
0x60: {  	_ =	shalt  }
0x61: {  	_ =	shalt  }
0x62: {  	_ =	shalt  }
0x63: {  	_ =	shalt  }
0x64: {  	_ =	shalt  }
0x65: {  	_ =	shalt  }
0x66: {  	_ =	shalt  }
0x67: {  	_ =	shalt  }
0x68: {  	_ =	shalt  }
0x69: {  	_ =	shalt  }
0x6a: {  	_ =	shalt  }
0x6b: {  	_ =	shalt  }
0x6c: {  	_ =	shalt  }
0x6d: {  	_ =	shalt  }
0x6e: {  	_ =	shalt  }
0x6f: {  	_ =	shalt  }
0x70: {  	_ =	shalt  }
0x71: {  	_ =	shalt  }
0x72: {  	_ =	shalt  }
0x73: {  	_ =	shalt  }
0x74: {  	_ =	shalt  }
0x75: {  	_ =	shalt  }
0x76: {  	_ =	shalt  }
0x77: {  	_ =	shalt  }
0x78: {  	_ =	shalt  }
0x79: {  	_ =	shalt  }
0x7a: {  	_ =	shalt  }
0x7b: {  	_ =	shalt  }
0x7c: {  	_ =	shalt  }
0x7d: {  	_ =	shalt  }
0x7e: {  	_ =	shalt  }
0x7f: {  	_ =	shalt  }
0x80: {  	_ =	shalt  }
0x81: {  	_ =	shalt  }
0x82: {  	_ =	shalt  }
0x83: {  	_ =	shalt  }
0x84: {  	_ =	shalt  }
0x85: {  	_ =	shalt  }
0x86: {  	_ =	shalt  }
0x87: {  	_ =	shalt  }
.Lfunc_end0:
.L_simem_size_0:
called_computation.1_lowered:
.L_overlay_start_0:
0x88: {  	s2 =	sld [smem:$0x3FD9]  }
0x89: {  	s3 =	sld [smem:$0x3FFE];
	_ =	sdelay $0x1  }
0x8a: {  	s1 =	srdreg.scid  }
0x8b: {  	s0 =	sand.u32 $0x1, s1  }
0x8c: {  	s17 =	sshll.u32 s0, $0xA;
	s2 =	sadd.s32 s3, s2  }
0x8d: {  	s2 =	sadd.s32 s2, s17  }
0x8e: {  	[smem:$0x3FC2] =	sst s2  }
0x8f: {  	_ = 	snop  }
0x90: {  	s2 =	sld [smem:$0x3FD0];
	(tm) =	ssettm $0x1  }
0x91: {  	s18 =	sld [smem:$0x3FFB];
	_ =	sdelay $0x3  }
0x92: {  	_ =	strace s18  }
0x93: {  	s3 =	sld [smem:$0x3FFC];
	_ =	sdelay $0x3  }
0x94: {  	_ =	strace s3  }
0x95: {  	s3 =	sld [smem:$0x3FFD];
	_ =	sdelay $0x3  }
0x96: {  	_ =	strace s3  }
0x97: {  	_ =	strace $0x8FFFFFFF  }
0x98: {  	s19 =	sld [smem:$0x3FDB];
	_ =	sdelay $0x1  }
0x99: {  	s4 =	simm.s32 $_scs_section_size  }
0x9a: {  	s5 =	simm.s32 $_size__tile_overlayer_lowered;
	s6 =	simm.s32 $_tile_overlayer_lowered  }
0x9b: {  	s22 =	simm.s32 $0x1BFF;
	s21 =	sshll.u32 s6, $0x1;
	s3 =	sadd.s32 s4, s19  }
0x9c: {  	s7 =	simm.s32 $0x0;
	s20 =	sshll.u32 s5, $0x1;
	s5 =	sadd.s32 s21, s3  }
0x9d: {  	[timem:s7], [sflag:s22] =	dma.local [hbm:s5], s20  }
0x9e: {  	_ =	swait.ge [sflag:s22], s20  }
0x9f: {  	s4 =	ssub.s32 $0x0, s20;
	[sflag:s22] =	ssyncset.done $0x0  }
0xa0: {  	[sflag:s22] =	ssyncadd.s32 s4;
	_ =	sdelay $0x1  }
0xa1: {  	s23 =	simm.s32 $0x1B8B  }
0xa2: {  	_ =	swait.ge [sflag:s23], $0x1  }
0xa3: {  	[sflag:s23] =	ssyncset.done $0x0  }
0xa4: {  	s25 =	simm.s32 $0x1B8E;
	s24 =	sld [smem:$0x3FFE];
	[sflag:s23] =	ssyncadd.s32 $0xFFFFFFFF  }
0xa5: {  	s26 =	simm.s32 $execute0_lowered;
	[smem:$0x3FD2] =	sst s25  }
0xa6: {  	s5 =	sshll.u32 s26, $0x1;
	_ =	strace $0x80000049;
	[dreg:$0x1] =	wrdreg $0xFFFFFFFF  }
0xa7: {  	s28 =	simm.s32 $_size_execute0_lowered;
	s3 =	sadd.s32 s3, s5;
	[dreg:$0x0] =	wrdreg $0x0  }
0xa8: {  	s5 =	sshll.u32 s28, $0x1;
	[dreg:$0x2] =	wrdreg s3  }
0xa9: {  	[dreg:$0x3] =	wrdreg s5  }
0xaa: {  	[dreg:$0x4] =	wrdreg $0xC0  }
0xab: {  	_ =	task [dreg:s7], $0x5FFFF  }
0xac: {  	[dreg:$0x1] =	wrdreg $0xFFFFFFFF  }
0xad: {  	[dreg:$0x0] =	wrdreg $0x60  }
0xae: {  	[dreg:$0x2] =	wrdreg s24  }
0xaf: {  	[dreg:$0x3] =	wrdreg s2  }
0xb0: {  	[dreg:$0x4] =	wrdreg $0x0  }
0xb1: {  	[dreg:$0x5] =	wrdreg $0x9  }
0xb2: {  	_ =	task.clear_ibuf [dreg:s7], $0x6FFFF;
	_ =	strace $0x90000049  }
0xb3: {  	s29 =	simm.s32 $0x9;
	_ =	strace $0x8000004B  }
0xb4: {  	_ =	swait.ge [sflag:s29], $0x1  }
0xb5: {  	[sflag:s29] =	ssyncadd.s32 $0xFFFFFFFF  }
0xb6: {  	_ =	strace $0x9000004B  }
0xb7: {  	_ =	sfence  }
0xb8: {  	s30 =	sld [smem:$0x0];
	_ =	sdelay $0x2  }
0xb9: {  	s31 =	sshll.u32 s1, $0xD;
	s1 =	sshrl.u32 s1, $0x2  }
0xba: {  	s3 =	sand.u32 $0x4000, s31;
	s1 =	sadd.s32 s1, s30  }
0xbb: {  	s0 =	sor.u32 s3, s0;
	s1 =	sshll.u32 s1, $0x11  }
0xbc: {  	s0 =	sor.u32 s1, s0  }
0xbd: {  	s0 =	sadd.s32 $0x8F2B, s0  }
0xbe: {  	[sflag:s0] =	ssyncadd.remote.s32 $0x1  }
0xbf: {  	_ =	sfence.sel $0xFFFF  }
0xc0: {  	[dreg:$0x0] =	wrdreg $0xFFFFFFFF;
	(pc) =	sbr.abs _section_cstart, $3  }
0xc1: {  	[dreg:$0x1] =	wrdreg $0xFFFFFFFF  }
0xc2: {  	_ =	task.clear_ibuf [dreg:s7], $0x2FFFF;
	_ =	strace $0x9FFFFFFF  }
0xc3: {  	(tm) =	ssettm $0x7FFFFFFF  }
tec
execute0_lowered:
.L_overlay_start_1:
0x0: {  	(tag) =	ssettag $0x1  }
0x1: {  	s6 =	rddreg [dreg:$0x0]  }
0x2: {  	s9 =	rddreg [dreg:$0x1]  }
0x3: {  	s1 =	rddreg [dreg:$0x2]  }
0x4: {  	s2 =	srdreg.scid;
	s0 =	rddreg [dreg:$0x3]  }
0x5: {  	s3 =	simm.s32 $0x0;
	s16 =	simm.s32 $0x15400;
	s17 =	simm.s32 $0x80  }
0x6: {  	s18 =	simm.s32 $0x16800;
	s19 =	simm.s32 $0x14080;
	s20 =	simm.s32 $0x1A800  }
0x7: {  	s21 =	simm.s32 $0x1;
	s22 =	simm.s32 $0x2;
	s23 =	simm.s32 $0x16700  }
0x8: {  	s24 =	simm.s32 $0x16780;
	s25 =	simm.s32 $0x0;
	s7 =	sand.u32 $0x1, s2  }
0x9: {  	s2 =	stileid.u32;
	[smem:$0x7FF] =	sst s3;
	s4 =	sadd.s32 $0xC200, s6  }
0xa: {  	s11 =	sadd.s32 $0x2200, s6;
	s5 =	sadd.s32 $0x34200, s6;
	s8 =	smul.u32 $0x140000, s7  }
0xb: {  	s10 =	smul.u32 $0x14000, s2;
	_ =	strace $0x8000004A;
	s28 =	sshll.u32 s7, $0x4  }
0xc: {  	s7 =	ssub.s32 $0x2, s7;
	s12 =	smul.u32 $0x50000, s2;
	s30 =	sshll.u32 s2, $0x6  }
0xd: {  	s13 =	sshrl.u32 s7, $0x1;
	s8 =	sadd.s32 s10, s8;
	s10 =	sor.u32 s2, s28  }
0xe: {  	s13 =	ssub.s32 s7, s13;
	s29 =	sshrl.u32 s12, $0x2;
	s10 =	smul.u32 $0x2800, s10  }
0xf: {  	s8 =	sshrl.u32 s8, $0x3;
	s15 =	sadd.s32 s29, s1;
	s12 =	smax.u32 s13, $0x1  }
0x10: {  	s14 =	sadd.s32 s8, s6;
	s6 =	sor.u32 $0x1C03, s30;
	s31 =	sshrl.u32 s10, $0x3  }
0x11: {  	s13 =	sshrl.u32 s15, $0x3;
	s15 =	simm.s32 $0x14000;
	s10 =	sadd.s32 $0x280, s31  }
0x12: {  	s7 =	sadd.s32 s9, s31;
	s8 =	sadd.s32 s11, s31;
	s9 =	sadd.s32 s9, s10  }
0x13: {  	s10 =	sadd.s32 s11, s10;
	s11 =	sadd.s32 $0x36A00, s14;
	s14 =	simm.s32 $0x3  }
.LBB2_1:
0x14: {  	[spmem:s13], [sflag:s6] =	dma.local [hbm:s5], $0x2800  }
0x15: {  	_ =	swait.ge [sflag:s14], $0x2800  }
0x16: {  	[sflag:s14] =	ssyncset.done $0x0  }
0x17: {  	[sflag:s14] =	ssyncadd.s32 $0xFFFFD800  }
0x18: {  	[bflag:$0x0] =	sbarrier.arrive $0xFFFF  }
0x19: {  	[tilespmem:s15], [sflag:$0x3] =	stream.linear.gather [hbm4b:s7+s3], $0x1400, $0x38;
	[tilespmem:$0x1E800] =	vst v63  }
0x1a: {  	_ =	swait.ge [sflag:s14], $0x1400  }
0x1b: {  	[sflag:s14] =	ssyncset.done $0x0  }
0x1c: {  	[sflag:s14] =	ssyncadd.s32 $0xFFFFEC00  }
0x1d: {  	[tilespmem:s16], [sflag:$0x3] =	stream.linear.gather [hbm4b:s8+s3], $0x1400, $0x38;
	[tilespmem:$0x1E800] =	vst v63  }
0x1e: {  	_ =	swait.ge [sflag:s14], $0x1400  }
0x1f: {  	[sflag:s14] =	ssyncset.done $0x0  }
0x20: {  	[sflag:s14] =	ssyncadd.s32 $0xFFFFEC00  }
0x21: {  	[tilespmem:s18], [sflag:$0x1] =	stream.indirect.gather [hbm4b:s4+s17], $0x80, s15, s17, $0xb8;
	[tilespmem:$0x1E800] =	vst v63  }
0x22: {  	_ = 	snop  }
0x23: {  	[tilespmem:s20], [sflag:$0x2] =	stream.indirect.gather [hbm4b:s4+s17], $0x80, s19, s17, $0xb8;
	[tilespmem:$0x1E800] =	vst v63  }
0x24: {  	_ =	swait.ge [sflag:s21], $0x4000  }
0x25: {  	[sflag:s21] =	ssyncset.done $0x0  }
0x26: {  	s26 =	simm.s32 $0x15400;
	[sflag:s21] =	ssyncadd.s32 $0xFFFFC000  }
0x27: {  	[spmem:s1] =	stream.indirect.scatter.add.f32 [tilespmem:s18], [sflag:$0x3], $0x80, s26, s17, $0xb8;
	[tilespmem:$0x1E800] =	vst v63  }
0x28: {  	_ =	swait.ge [sflag:s14], $0x4000  }
0x29: {  	[sflag:s14] =	ssyncset.done $0x0  }
0x2a: {  	s30 =	simm.s32 $0x14100;
	[sflag:s14] =	ssyncadd.s32 $0xFFFFC000  }
0x2b: {  	[tilespmem:s18], [sflag:$0x1] =	stream.indirect.gather [hbm4b:s4+s17], $0x80, s30, s17, $0xb8;
	[tilespmem:$0x1E800] =	vst v63  }
0x2c: {  	_ =	swait.ge [sflag:s22], $0x4000  }
0x2d: {  	[sflag:s22] =	ssyncset.done $0x0  }
0x2e: {  	s31 =	simm.s32 $0x15480;
	[sflag:s22] =	ssyncadd.s32 $0xFFFFC000  }
0x2f: {  	[spmem:s1] =	stream.indirect.scatter.add.f32 [tilespmem:s20], [sflag:$0x3], $0x80, s31, s17, $0xb8;
	[tilespmem:$0x1E800] =	vst v63  }
0x30: {  	_ =	swait.ge [sflag:s14], $0x4000  }
0x31: {  	[sflag:s14] =	ssyncset.done $0x0  }
0x32: {  	s28 =	simm.s32 $0x14180;
	s26 =	simm.s32 $0x400;
	[sflag:s14] =	ssyncadd.s32 $0xFFFFC000  }
.LBB2_2:
0x33: {  	[tilespmem:s20], [sflag:$0x2] =	stream.indirect.gather [hbm4b:s4+s17], $0x80, s28, s17, $0xb8;
	[tilespmem:$0x1E800] =	vst v63  }
0x34: {  	s28 =	smov.u32 s26  }
0x35: {  	p0 =	sne.s32 s26, $0x4800;
	s26 =	sadd.s32 $0x400, s26;
	_ =	swait.ge [sflag:s21], $0x4000  }
0x36: {  	s28 =	sshra.s32 s28, $0x2;
	[sflag:s21] =	ssyncset.done $0x0  }
0x37: {  	s29 =	sadd.s32 $0x15400, s28;
	[sflag:s21] =	ssyncadd.s32 $0xFFFFC000  }
0x38: {  	[spmem:s1] =	stream.indirect.scatter.add.f32 [tilespmem:s18], [sflag:$0x3], $0x80, s29, s17, $0xb8;
	[tilespmem:$0x1E800] =	vst v63  }
0x39: {  	_ =	swait.ge [sflag:s14], $0x4000  }
0x3a: {  	[sflag:s14] =	ssyncset.done $0x0  }
0x3b: {  	s29 =	sadd.s32 $0x14100, s28;
	[sflag:s14] =	ssyncadd.s32 $0xFFFFC000  }
0x3c: {  	[tilespmem:s18], [sflag:$0x1] =	stream.indirect.gather [hbm4b:s4+s17], $0x80, s29, s17, $0xb8;
	[tilespmem:$0x1E800] =	vst v63  }
0x3d: {  	_ =	swait.ge [sflag:s22], $0x4000  }
0x3e: {  	[sflag:s22] =	ssyncset.done $0x0  }
.Ltmp0:
0x3f: {  	s29 =	sadd.s32 $0x15480, s28;
	[sflag:s22] =	ssyncadd.s32 $0xFFFFC000;
	(pc) =	sbr.rel @p0 .LBB2_2-.Ltmp0, $4  }
0x40: {  	[spmem:s1] =	stream.indirect.scatter.add.f32 [tilespmem:s20], [sflag:$0x3], $0x80, s29, s17, $0xb8;
	[tilespmem:$0x1E800] =	vst v63  }
0x41: {  	_ =	swait.ge [sflag:s14], $0x4000  }
0x42: {  	[sflag:s14] =	ssyncset.done $0x0  }
0x43: {  	s28 =	sadd.s32 $0x14180, s28;
	[sflag:s14] =	ssyncadd.s32 $0xFFFFC000  }
0x44: {  	[tilespmem:s20], [sflag:$0x2] =	stream.indirect.gather [hbm4b:s4+s17], $0x80, s28, s17, $0xb8;
	[tilespmem:$0x1E800] =	vst v63  }
0x45: {  	_ =	swait.ge [sflag:s21], $0x4000  }
0x46: {  	[sflag:s21] =	ssyncset.done $0x0  }
0x47: {  	[sflag:s21] =	ssyncadd.s32 $0xFFFFC000  }
0x48: {  	[spmem:s1] =	stream.indirect.scatter.add.f32 [tilespmem:s18], [sflag:$0x3], $0x80, s23, s17, $0xb8;
	[tilespmem:$0x1E800] =	vst v63  }
0x49: {  	_ =	swait.ge [sflag:s14], $0x4000  }
0x4a: {  	[sflag:s14] =	ssyncset.done $0x0  }
0x4b: {  	[sflag:s14] =	ssyncadd.s32 $0xFFFFC000  }
0x4c: {  	_ =	swait.ge [sflag:s22], $0x4000  }
0x4d: {  	[sflag:s22] =	ssyncset.done $0x0  }
0x4e: {  	[sflag:s22] =	ssyncadd.s32 $0xFFFFC000  }
0x4f: {  	[spmem:s1] =	stream.indirect.scatter.add.f32 [tilespmem:s20], [sflag:$0x3], $0x80, s24, s17, $0xb8;
	[tilespmem:$0x1E800] =	vst v63  }
0x50: {  	_ =	swait.ge [sflag:s14], $0x4000  }
0x51: {  	[sflag:s14] =	ssyncset.done $0x0  }
0x52: {  	s26 =	simm.s32 $0x0;
	[sflag:s14] =	ssyncadd.s32 $0xFFFFC000  }
0x53: {  	[tilespmem:s15], [sflag:$0x3] =	stream.linear.gather [hbm4b:s9+s26], $0x1400, $0x38;
	[tilespmem:$0x1E800] =	vst v63  }
0x54: {  	_ =	swait.ge [sflag:s14], $0x1400  }
0x55: {  	[sflag:s14] =	ssyncset.done $0x0  }
0x56: {  	[sflag:s14] =	ssyncadd.s32 $0xFFFFEC00  }
0x57: {  	[tilespmem:s16], [sflag:$0x3] =	stream.linear.gather [hbm4b:s10+s26], $0x1400, $0x38;
	[tilespmem:$0x1E800] =	vst v63  }
0x58: {  	_ =	swait.ge [sflag:s14], $0x1400  }
0x59: {  	[sflag:s14] =	ssyncset.done $0x0  }
0x5a: {  	[sflag:s14] =	ssyncadd.s32 $0xFFFFEC00  }
0x5b: {  	[tilespmem:s18], [sflag:$0x1] =	stream.indirect.gather [hbm4b:s4+s17], $0x80, s15, s17, $0xb8;
	[tilespmem:$0x1E800] =	vst v63  }
0x5c: {  	_ = 	snop  }
0x5d: {  	[tilespmem:s20], [sflag:$0x2] =	stream.indirect.gather [hbm4b:s4+s17], $0x80, s19, s17, $0xb8;
	[tilespmem:$0x1E800] =	vst v63  }
0x5e: {  	_ =	swait.ge [sflag:s21], $0x4000  }
0x5f: {  	[sflag:s21] =	ssyncset.done $0x0  }
0x60: {  	s29 =	simm.s32 $0x15400;
	[sflag:s21] =	ssyncadd.s32 $0xFFFFC000  }
0x61: {  	[spmem:s1] =	stream.indirect.scatter.add.f32 [tilespmem:s18], [sflag:$0x3], $0x80, s29, s17, $0xb8;
	[tilespmem:$0x1E800] =	vst v63  }
0x62: {  	_ =	swait.ge [sflag:s14], $0x4000  }
0x63: {  	[sflag:s14] =	ssyncset.done $0x0  }
0x64: {  	s30 =	simm.s32 $0x14100;
	[sflag:s14] =	ssyncadd.s32 $0xFFFFC000  }
0x65: {  	[tilespmem:s18], [sflag:$0x1] =	stream.indirect.gather [hbm4b:s4+s17], $0x80, s30, s17, $0xb8;
	[tilespmem:$0x1E800] =	vst v63  }
0x66: {  	_ =	swait.ge [sflag:s22], $0x4000  }
0x67: {  	[sflag:s22] =	ssyncset.done $0x0  }
0x68: {  	s31 =	simm.s32 $0x15480;
	[sflag:s22] =	ssyncadd.s32 $0xFFFFC000  }
0x69: {  	[spmem:s1] =	stream.indirect.scatter.add.f32 [tilespmem:s20], [sflag:$0x3], $0x80, s31, s17, $0xb8;
	[tilespmem:$0x1E800] =	vst v63  }
0x6a: {  	_ =	swait.ge [sflag:s14], $0x4000  }
0x6b: {  	[sflag:s14] =	ssyncset.done $0x0  }
0x6c: {  	s28 =	simm.s32 $0x14180;
	s26 =	simm.s32 $0x400;
	[sflag:s14] =	ssyncadd.s32 $0xFFFFC000  }
.LBB2_4:
0x6d: {  	[tilespmem:s20], [sflag:$0x2] =	stream.indirect.gather [hbm4b:s4+s17], $0x80, s28, s17, $0xb8;
	[tilespmem:$0x1E800] =	vst v63  }
0x6e: {  	s28 =	smov.u32 s26  }
0x6f: {  	p0 =	sne.s32 s26, $0x4800;
	s26 =	sadd.s32 $0x400, s26;
	_ =	swait.ge [sflag:s21], $0x4000  }
0x70: {  	s28 =	sshra.s32 s28, $0x2;
	[sflag:s21] =	ssyncset.done $0x0  }
0x71: {  	s29 =	sadd.s32 $0x15400, s28;
	[sflag:s21] =	ssyncadd.s32 $0xFFFFC000  }
0x72: {  	[spmem:s1] =	stream.indirect.scatter.add.f32 [tilespmem:s18], [sflag:$0x3], $0x80, s29, s17, $0xb8;
	[tilespmem:$0x1E800] =	vst v63  }
0x73: {  	_ =	swait.ge [sflag:s14], $0x4000  }
0x74: {  	[sflag:s14] =	ssyncset.done $0x0  }
0x75: {  	s29 =	sadd.s32 $0x14100, s28;
	[sflag:s14] =	ssyncadd.s32 $0xFFFFC000  }
0x76: {  	[tilespmem:s18], [sflag:$0x1] =	stream.indirect.gather [hbm4b:s4+s17], $0x80, s29, s17, $0xb8;
	[tilespmem:$0x1E800] =	vst v63  }
0x77: {  	_ =	swait.ge [sflag:s22], $0x4000  }
0x78: {  	[sflag:s22] =	ssyncset.done $0x0  }
.Ltmp1:
0x79: {  	s29 =	sadd.s32 $0x15480, s28;
	[sflag:s22] =	ssyncadd.s32 $0xFFFFC000;
	(pc) =	sbr.rel @p0 .LBB2_4-.Ltmp1, $4  }
0x7a: {  	[spmem:s1] =	stream.indirect.scatter.add.f32 [tilespmem:s20], [sflag:$0x3], $0x80, s29, s17, $0xb8;
	[tilespmem:$0x1E800] =	vst v63  }
0x7b: {  	_ =	swait.ge [sflag:s14], $0x4000  }
0x7c: {  	[sflag:s14] =	ssyncset.done $0x0  }
0x7d: {  	s28 =	sadd.s32 $0x14180, s28;
	[sflag:s14] =	ssyncadd.s32 $0xFFFFC000  }
0x7e: {  	[tilespmem:s20], [sflag:$0x2] =	stream.indirect.gather [hbm4b:s4+s17], $0x80, s28, s17, $0xb8;
	[tilespmem:$0x1E800] =	vst v63  }
0x7f: {  	_ =	swait.ge [sflag:s21], $0x4000  }
0x80: {  	[sflag:s21] =	ssyncset.done $0x0  }
0x81: {  	[sflag:s21] =	ssyncadd.s32 $0xFFFFC000  }
0x82: {  	[spmem:s1] =	stream.indirect.scatter.add.f32 [tilespmem:s18], [sflag:$0x3], $0x80, s23, s17, $0xb8;
	[tilespmem:$0x1E800] =	vst v63  }
0x83: {  	_ =	swait.ge [sflag:s14], $0x4000  }
0x84: {  	[sflag:s14] =	ssyncset.done $0x0  }
0x85: {  	[sflag:s14] =	ssyncadd.s32 $0xFFFFC000  }
0x86: {  	_ =	swait.ge [sflag:s22], $0x4000  }
0x87: {  	[sflag:s22] =	ssyncset.done $0x0  }
0x88: {  	[sflag:s22] =	ssyncadd.s32 $0xFFFFC000  }
0x89: {  	[spmem:s1] =	stream.indirect.scatter.add.f32 [tilespmem:s20], [sflag:$0x3], $0x80, s24, s17, $0xb8;
	[tilespmem:$0x1E800] =	vst v63  }
0x8a: {  	_ =	swait.ge [sflag:s14], $0x4000  }
0x8b: {  	s25 =	sadd.s32 $0x1, s25;
	[sflag:s14] =	ssyncset.done $0x0  }
0x8c: {  	p0 =	sne.s32 s25, s12;
	[sflag:s14] =	ssyncadd.s32 $0xFFFFC000  }
.Ltmp2:
0x8d: {  	[bflag:$0x0] =	sbarrier.arrive $0xFFFF;
	(pc) =	sbr.rel @p0 .LBB2_1-.Ltmp2, $4  }
0x8e: {  	[hbm:s11], [sflag:s6] =	dma.local [spmem:s13], $0x2800  }
0x8f: {  	_ =	swait.ge [sflag:s14], $0x2800  }
0x90: {  	[sflag:s14] =	ssyncset.done $0x0  }
0x91: {  	[sflag:s14] =	ssyncadd.s32 $0xFFFFD800  }
0x92: {  	_ =	sfence.sel $0x180000  }
0x93: {  	[bflag:$0x0] =	sbarrier.arrive $0xFFFF  }
0x94: {  	p0 =	sne.s32 s2, $0x0;
	_ =	strace $0x9000004A  }
0x95: {  	s0 =	sadd.s32 @!p0 $0x100000, s0;
	[bflag:$0x2] =	sbarrier.arrive $0xFFFF  }
0x96: {  	[sflag:s0] =	ssyncadd.tile.s32 @!p0 $0x1;
	_ =	shalt  }
.Lfunc_end2:
_tile_overlayer_lowered:
.L_overlay_start_2:
0x97: {  	(tag) =	ssettag $0x2  }
0x98: {  	s0 =	rddreg [dreg:$0x0];
	s2 =	stileid.u32  }
0x99: {  	s1 =	rddreg [dreg:$0x1];
	p0 =	sne.s32 s2, $0x0  }
0x9a: {  	s3 =	rddreg [dreg:$0x2];
	[bflag:$0x3] =	sbarrier.arrive $0xFFFF;
	s2 =	simm.s32 @!p0 $0x1C03  }
0x9b: {  	[timem:s3], [sflag:s2] =	dma.local @!p0 [hbm:s0], s1  }
0x9c: {  	s0 =	simm.s32 @!p0 $0x3  }
0x9d: {  	_ =	swait.ge @!p0 [sflag:s0], s1  }
0x9e: {  	s1 =	ssub.s32 @!p0 $0x0, s1;
	[sflag:s0] =	ssyncset.done @!p0 $0x0  }
0x9f: {  	[sflag:s0] =	ssyncadd.s32 @!p0 s1  }
0xa0: {  	[bflag:$0x3] =	sbarrier.arrive $0xFFFF  }
0xa1: {  	_ =	shalt  }

// kernel: kernel.7.cloned.1.call-start
scs
__scs_entry_jumppad:
0x0: {  	(pc) =	sbr.rel $0x88, $3  }
0x1: {  	(tag) =	ssettag $0x0;
	lr =	simm.s32 $0x1  }
0x2: {  	[smem:$0x3F9B] =	sst lr;
	_ =	strace $0xD0000000  }
0x3: {  	_ = 	snop  }
0x4: {  	_ = 	snop  }
0x5: {  	_ = 	snop  }
0x6: {  	_ = 	snop  }
0x7: {  	_ = 	snop  }
__scs_overlays_trampoline_lowered:
0x8: {  	[smem:$0x3FAA] =	sst s0  }
0x9: {  	[smem:$0x3FAB] =	sst s1  }
0xa: {  	[smem:$0x3FAC] =	sst s2  }
0xb: {  	[smem:$0x3FAD] =	sst s3  }
0xc: {  	[smem:$0x3FAE] =	sst s4  }
0xd: {  	[smem:$0x3FAF] =	sst s5  }
0xe: {  	[smem:$0x3FB0] =	sst s6  }
0xf: {  	[smem:$0x3FB1] =	sst s7  }
0x10: {  	[smem:$0x3FB2] =	sst s8  }
0x11: {  	[smem:$0x3FB3] =	sst s9;
	s0 =	simm.s32 @!p0 $0x0  }
0x12: {  	s1 =	sld [smem:$0x3F99];
	s0 =	simm.s32 @p0 $0x1  }
0x13: {  	[smem:$0x3FB4] =	sst s0;
	s0 =	simm.s32 @!p1 $0x0  }
0x14: {  	s2 =	sld [smem:$0x3F98];
	s0 =	simm.s32 @p1 $0x1  }
0x15: {  	[smem:$0x3FB5] =	sst s0;
	s0 =	simm.s32 @!p2 $0x0  }
0x16: {  	s3 =	sld [smem:$0x3FDB];
	s0 =	simm.s32 @p2 $0x1  }
0x17: {  	s4 =	simm.s32 $0x1BF5;
	[smem:$0x3FB7] =	sst s0  }
0x18: {  	s0 =	sld [smem:$0x3F9A];
	_ =	swait.ge [sflag:s4], $0x0  }
0x19: {  	s7 =	sld [smem:$0x3F9B]  }
0x1a: {  	s8 =	sadd.s32 $0xFFFFE003, lr  }
0x1b: {  	s9 =	sadd.s32 $0xFFFFFEF7, lr;
	s5 =	simm.s32 $0xFFFFFFFF;
	p2 =	slt.u32 s8, $0xFFFFF086  }
0x1c: {  	p1 =	slt.u32 s9, $0xF7A;
	s5 =	simm.s32 @!p2 $0x0  }
0x1d: {  	s5 =	simm.s32 @p1 $0x1;
	p0 =	seq.s32 s7, s2  }
0x1e: {  	s7 =	smul.u32 @!p0 $0xF7A, s2;
	p2 =	seq.s32 @!p0 s5, $0x0  }
0x1f: {  	s9 =	smul.u32 $0xF7A, s1;
	s8 =	simm.s32 @!p0 $0x1BF5;
	p2 =	por !p2, p0  }
0x20: {  	[sflag:s8] =	ssyncset.s32 @!p0 $0xFFFFF086;
	s6 =	sadd.s32 @!p0 s3, s7;
	s7 =	simm.s32 @!p0 $0x108  }
0x21: {  	s3 =	sadd.s32 s3, s9;
	s6 =	sadd.s32 @!p0 $0x88, s6;
	s7 =	simm.s32 @p2 $0x1082  }
0x22: {  	[simem:s7], [sflag:s8] =	dma.local @!p0 [hbm:s6], $0xF7A  }
0x23: {  	s9 =	sor.u32 $0xD0000000, s2;
	s6 =	simm.s32 $0x108;
	_ =	swait.ge @!p0 [sflag:s8], $0x0  }
0x24: {  	s3 =	sadd.s32 $0x88, s3;
	s6 =	simm.s32 @!p1 $0x1082;
	[sflag:s4] =	ssyncset.s32 $0xFFFFF086  }
0x25: {  	[simem:s6], [sflag:s4] =	dma.local [hbm:s3], $0xF7A  }
0x26: {  	[smem:$0x3F9B] =	sst s1;
	(tag) =	ssettag s2;
	_ =	strace s9  }
0x27: {  	s1 =	sld [smem:$0x3FAB]  }
0x28: {  	s2 =	sld [smem:$0x3FAC]  }
0x29: {  	s4 =	sld [smem:$0x3FAE]  }
0x2a: {  	p0 =	seq.s32 s5, $0x0;
	s5 =	sld [smem:$0x3FAF]  }
0x2b: {  	s6 =	sld [smem:$0x3FB0]  }
0x2c: {  	s7 =	sld [smem:$0x3FB1]  }
0x2d: {  	s3 =	simm.s32 $0x108;
	s8 =	sld [smem:$0x3FB2]  }
0x2e: {  	s3 =	simm.s32 @!p0 $0x1082;
	s9 =	sld [smem:$0x3FB3]  }
0x2f: {  	lr =	sadd.s32 s0, s3;
	s0 =	sld [smem:$0x3FAA]  }
0x30: {  	s3 =	sld [smem:$0x3FAD]  }
0x31: {  	[smem:$0x3FB6] =	sst s10  }
0x32: {  	s10 =	sld [smem:$0x3FB4];
	_ =	sdelay $0x3  }
0x33: {  	p0 =	seq.s32 s10, $0x1;
	s10 =	sld [smem:$0x3FB6];
	_ =	sdelay $0x3  }
0x34: {  	[smem:$0x3FB6] =	sst s10  }
0x35: {  	s10 =	sld [smem:$0x3FB5];
	_ =	sdelay $0x3  }
0x36: {  	p1 =	seq.s32 s10, $0x1;
	s10 =	sld [smem:$0x3FB6];
	_ =	sdelay $0x3  }
0x37: {  	[smem:$0x3FB6] =	sst s10  }
0x38: {  	s10 =	sld [smem:$0x3FB7]  }
0x39: {  	_ = 	snop;
	(pc) =	sbr.ind lr, $3  }
0x3a: {  	_ = 	snop  }
0x3b: {  	_ = 	snop  }
0x3c: {  	p2 =	seq.s32 s10, $0x1;
	s10 =	sld [smem:$0x3FB6]  }
0x3d: {  	_ =	shalt  }
0x3e: {  	_ =	shalt  }
0x3f: {  	_ =	shalt  }
0x40: {  	_ =	shalt  }
0x41: {  	_ =	shalt  }
0x42: {  	_ =	shalt  }
0x43: {  	_ =	shalt  }
0x44: {  	_ =	shalt  }
0x45: {  	_ =	shalt  }
0x46: {  	_ =	shalt  }
0x47: {  	_ =	shalt  }
0x48: {  	_ =	shalt  }
0x49: {  	_ =	shalt  }
0x4a: {  	_ =	shalt  }
0x4b: {  	_ =	shalt  }
0x4c: {  	_ =	shalt  }
0x4d: {  	_ =	shalt  }
0x4e: {  	_ =	shalt  }
0x4f: {  	_ =	shalt  }
0x50: {  	_ =	shalt  }
0x51: {  	_ =	shalt  }
0x52: {  	_ =	shalt  }
0x53: {  	_ =	shalt  }
0x54: {  	_ =	shalt  }
0x55: {  	_ =	shalt  }
0x56: {  	_ =	shalt  }
0x57: {  	_ =	shalt  }
0x58: {  	_ =	shalt  }
0x59: {  	_ =	shalt  }
0x5a: {  	_ =	shalt  }
0x5b: {  	_ =	shalt  }
0x5c: {  	_ =	shalt  }
0x5d: {  	_ =	shalt  }
0x5e: {  	_ =	shalt  }
0x5f: {  	_ =	shalt  }
0x60: {  	_ =	shalt  }
0x61: {  	_ =	shalt  }
0x62: {  	_ =	shalt  }
0x63: {  	_ =	shalt  }
0x64: {  	_ =	shalt  }
0x65: {  	_ =	shalt  }
0x66: {  	_ =	shalt  }
0x67: {  	_ =	shalt  }
0x68: {  	_ =	shalt  }
0x69: {  	_ =	shalt  }
0x6a: {  	_ =	shalt  }
0x6b: {  	_ =	shalt  }
0x6c: {  	_ =	shalt  }
0x6d: {  	_ =	shalt  }
0x6e: {  	_ =	shalt  }
0x6f: {  	_ =	shalt  }
0x70: {  	_ =	shalt  }
0x71: {  	_ =	shalt  }
0x72: {  	_ =	shalt  }
0x73: {  	_ =	shalt  }
0x74: {  	_ =	shalt  }
0x75: {  	_ =	shalt  }
0x76: {  	_ =	shalt  }
0x77: {  	_ =	shalt  }
0x78: {  	_ =	shalt  }
0x79: {  	_ =	shalt  }
0x7a: {  	_ =	shalt  }
0x7b: {  	_ =	shalt  }
0x7c: {  	_ =	shalt  }
0x7d: {  	_ =	shalt  }
0x7e: {  	_ =	shalt  }
0x7f: {  	_ =	shalt  }
0x80: {  	_ =	shalt  }
0x81: {  	_ =	shalt  }
0x82: {  	_ =	shalt  }
0x83: {  	_ =	shalt  }
0x84: {  	_ =	shalt  }
0x85: {  	_ =	shalt  }
0x86: {  	_ =	shalt  }
0x87: {  	_ =	shalt  }
.Lfunc_end0:
.L_simem_size_0:
called_computation_lowered:
.L_overlay_start_0:
0x88: {  	s2 =	sld [smem:$0x3FD9]  }
0x89: {  	s3 =	sld [smem:$0x3FFE];
	_ =	sdelay $0x1  }
0x8a: {  	s1 =	srdreg.scid  }
0x8b: {  	s0 =	sand.u32 $0x1, s1  }
0x8c: {  	s16 =	sshll.u32 s0, $0xA;
	s2 =	sadd.s32 s3, s2  }
0x8d: {  	s2 =	sadd.s32 s2, s16  }
0x8e: {  	[smem:$0x3FC2] =	sst s2  }
0x8f: {  	_ = 	snop  }
0x90: {  	(tm) =	ssettm $0x1  }
0x91: {  	s17 =	sld [smem:$0x3FFB];
	_ =	sdelay $0x3  }
0x92: {  	_ =	strace s17  }
0x93: {  	s2 =	sld [smem:$0x3FFC];
	_ =	sdelay $0x3  }
0x94: {  	_ =	strace s2  }
0x95: {  	s2 =	sld [smem:$0x3FFD];
	_ =	sdelay $0x3  }
0x96: {  	_ =	strace s2  }
0x97: {  	_ =	strace $0x8FFFFFFF  }
0x98: {  	s18 =	sld [smem:$0x3FDB];
	_ =	sdelay $0x1  }
0x99: {  	s19 =	simm.s32 $_scs_section_size  }
0x9a: {  	s4 =	simm.s32 $_size__tile_overlayer_lowered;
	s5 =	simm.s32 $_tile_overlayer_lowered  }
0x9b: {  	s22 =	simm.s32 $0x1BFF;
	s21 =	sshll.u32 s5, $0x1;
	s2 =	sadd.s32 s19, s18  }
0x9c: {  	s6 =	simm.s32 $0x0;
	s20 =	sshll.u32 s4, $0x1;
	s4 =	sadd.s32 s21, s2  }
0x9d: {  	[timem:s6], [sflag:s22] =	dma.local [hbm:s4], s20  }
0x9e: {  	_ =	swait.ge [sflag:s22], s20  }
0x9f: {  	s3 =	ssub.s32 $0x0, s20;
	[sflag:s22] =	ssyncset.done $0x0  }
0xa0: {  	[sflag:s22] =	ssyncadd.s32 s3;
	_ =	sdelay $0x1  }
0xa1: {  	s23 =	simm.s32 $0x1B8B  }
0xa2: {  	_ =	swait.ge [sflag:s23], $0x1  }
0xa3: {  	[sflag:s23] =	ssyncset.done $0x0  }
0xa4: {  	s25 =	simm.s32 $0x1B8E;
	s24 =	sld [smem:$0x3FFE];
	[sflag:s23] =	ssyncadd.s32 $0xFFFFFFFF  }
0xa5: {  	s26 =	simm.s32 $execute0_lowered;
	[smem:$0x3FD2] =	sst s25  }
0xa6: {  	s4 =	sshll.u32 s26, $0x1;
	_ =	strace $0x80000046;
	[dreg:$0x1] =	wrdreg $0xFFFFFFFF  }
0xa7: {  	s28 =	simm.s32 $_size_execute0_lowered;
	s2 =	sadd.s32 s2, s4;
	[dreg:$0x0] =	wrdreg $0x0  }
0xa8: {  	s4 =	sshll.u32 s28, $0x1;
	[dreg:$0x2] =	wrdreg s2  }
0xa9: {  	[dreg:$0x3] =	wrdreg s4  }
0xaa: {  	[dreg:$0x4] =	wrdreg $0xC0  }
0xab: {  	_ =	task [dreg:s6], $0x5FFFF  }
0xac: {  	[dreg:$0x1] =	wrdreg $0xFFFFFFFF  }
0xad: {  	[dreg:$0x0] =	wrdreg $0x60  }
0xae: {  	[dreg:$0x2] =	wrdreg s24  }
0xaf: {  	[dreg:$0x3] =	wrdreg $0x9  }
0xb0: {  	_ =	task.clear_ibuf [dreg:s6], $0x4FFFF;
	_ =	strace $0x90000046  }
0xb1: {  	s29 =	simm.s32 $0x9;
	_ =	strace $0x80000048  }
0xb2: {  	_ =	swait.ge [sflag:s29], $0x1  }
0xb3: {  	[sflag:s29] =	ssyncadd.s32 $0xFFFFFFFF  }
0xb4: {  	_ =	strace $0x90000048  }
0xb5: {  	_ =	sfence  }
0xb6: {  	s30 =	sld [smem:$0x0];
	_ =	sdelay $0x2  }
0xb7: {  	s31 =	sshll.u32 s1, $0xD;
	s1 =	sshrl.u32 s1, $0x2  }
0xb8: {  	s3 =	sand.u32 $0x4000, s31;
	s1 =	sadd.s32 s1, s30  }
0xb9: {  	s0 =	sor.u32 s3, s0;
	s1 =	sshll.u32 s1, $0x11  }
0xba: {  	s0 =	sor.u32 s1, s0  }
0xbb: {  	s0 =	sadd.s32 $0x8F2B, s0  }
0xbc: {  	[sflag:s0] =	ssyncadd.remote.s32 $0x1  }
0xbd: {  	_ =	sfence.sel $0xFFFF  }
0xbe: {  	[dreg:$0x0] =	wrdreg $0xFFFFFFFF;
	(pc) =	sbr.abs _section_cstart, $3  }
0xbf: {  	[dreg:$0x1] =	wrdreg $0xFFFFFFFF  }
0xc0: {  	_ =	task.clear_ibuf [dreg:s6], $0x2FFFF;
	_ =	strace $0x9FFFFFFF  }
0xc1: {  	(tm) =	ssettm $0x7FFFFFFF  }
tec
execute0_lowered:
.L_overlay_start_1:
0x0: {  	(tag) =	ssettag $0x1  }
0x1: {  	s4 =	rddreg [dreg:$0x0]  }
0x2: {  	s0 =	rddreg [dreg:$0x1]  }
0x3: {  	s3 =	srdreg.scid;
	s1 =	stileid.u32;
	s2 =	simm.s32 $0x0  }
0x4: {  	s10 =	simm.s32 $0x100;
	s11 =	simm.s32 $0x2800;
	s12 =	simm.s32 $0x3  }
0x5: {  	s13 =	simm.s32 $0x0;
	s5 =	sand.u32 $0x1, s3;
	s30 =	smul.u32 $0x500, s1  }
0x6: {  	[smem:$0x7FF] =	sst s2;
	s3 =	sadd.s32 $0x2200, s4;
	s9 =	smul.u32 $0x280, s1  }
0x7: {  	s6 =	sshll.u32 s5, $0x7;
	_ =	strace $0x80000047;
	s7 =	ssub.s32 $0x2, s5  }
0x8: {  	s8 =	smul.u32 $0x5000, s5;
	s6 =	sor.u32 s6, s30;
	s31 =	sshrl.u32 s7, $0x1  }
0x9: {  	v0 =	vmov s9;
	s9 =	simm.s32 $0x80;
	s6 =	sshrl.u32 s6, $0x3;
	s7 =	ssub.s32 s7, s31  }
0xa: {  	v2 =	vlaneseq.u32;
	s6 =	sadd.s32 s6, s4;
	s4 =	sshll.u32 s5, $0x4;
	s5 =	sadd.s32 s3, s8  }
0xb: {  	v1 =	vimm.f32 $0.0e+00;
	v3 =	vimm.f32 $1.000000000e+00;
	v2 =	vmul.u32 $0x280, v2;
	s7 =	smax.u32 s7, $0x1;
	s8 =	simm.s32 $0x2A80;
	s6 =	sadd.s32 $0xC200, s6  }
.LBB2_1:
0xc: {  	s14 =	simm.s32 $0x40;
	s15 =	simm.s32 $0x0  }
.LBB2_2:
0xd: {  	p0 =	sne.s32 s14, $0x9FC0;
	[tilespmem:s15+$0x0] =	vst v1;
	s15 =	smov.u32 s14;
	s14 =	sadd.s32 $0x40, s14  }
.Ltmp0:
0xe: {  	(pc) =	sbr.rel @p0 .LBB2_2-.Ltmp0, $2  }
0xf: {  	_ =	sdelay $0x2  }
0x10: {  	s15 =	sshra.s32 s15, $0x2  }
0x11: {  	[tilespmem:s15+$0x0] =	vst v1;
	s14 =	simm.s32 $0x0;
	p0 =	por $0x0, $0x0  }
0x12: {  	[tilespmem:s8], [sflag:$0x1] =	stream.linear.gather [hbm4b:s5+s14], $0x2800, $0x38;
	[tilespmem:$0x7A80] =	vst v63  }
.LBB2_4:
0x13: {  	s15 =	simm.s32 $0x1  }
0x14: {  	p1 =	seq.s32 s14, $0xF;
	s15 =	simm.s32 @!p0 $0x0  }
0x15: {  	s16 =	sand.u32 $0x1, s14;
	s17 =	sadd.s32 @!p1 s4, s14;
	s15 =	smul.u32 $0xA000, s15  }
0x16: {  	s18 =	sxor.u32 @!p1 $0x1, s16;
	s16 =	sadd.s32 $0x1, s16;
	s17 =	smul.u32 @!p1 $0x2800, s17  }
0x17: {  	s14 =	sadd.s32 $0x1, s14;
	s19 =	smul.u32 @!p1 $0xA000, s18;
	s15 =	sshrl.u32 s15, $0x2  }
0x18: {  	_ =	swait.ge [sflag:s16], $0x2800;
	s18 =	sadd.s32 @!p1 $0x1, s18;
	s15 =	sadd.s32 $0x2AC0, s15  }
0x19: {  	[sflag:s16] =	ssyncset.done $0x0;
	s19 =	sshrl.u32 @!p1 s19, $0x2;
	s17 =	sshrl.u32 @!p1 s17, $0x3;
	v4 =	vmov s15  }
0x1a: {  	[sflag:s16] =	ssyncadd.s32 $0xFFFFD800;
	s16 =	sadd.s32 @!p1 $0x2A80, s19;
	s17 =	sadd.s32 @!p1 s3, s17  }
0x1b: {  	s19 =	simm.s32 @!p1 $0x0;
	s17 =	sadd.s32 @!p1 $0x500, s17;
	s15 =	simm.s32 $0x0  }
0x1c: {  	[tilespmem:s16], [sflag:s18] =	stream.linear.gather @!p1 [hbm4b:s17+s19], $0x2800, $0x38;
	[tilespmem:$0x7A80] =	vst v63  }
.LBB2_5:
0x1d: {  	s16 =	sshra.s32 s15, $0x2  }
0x1e: {  	v5 =	vld.idx.msk [tilespmem:v4+s16+$0xFFFFFFC0 ss:$0x1], $0xffff;
	_ =	sdelay $0x4  }
0x1f: {  	v6 =	vsub.s32 v5, v0  }
0x20: {  	v7 =	vadd.s32 v2, v6  }
0x21: {  	v5 =	vand.u32 $0x7F, v5;
	vm0 =	vlt.u32 v6, $0x280;
	v6 =	vand.u32 $0xFFFFFF80, v7  }
0x22: {  	v5 =	vor.u32 v5, v6;
	_ =	sdelay $0x4  }
0x23: {  	[tilespmem:v5+s2+$0x0] =	vst.idx.add.f32.msk vm0, v3  }
0x24: {  	v5 =	vld.idx.msk [tilespmem:v4+s16+$0xFFFFFFD0 ss:$0x1], $0xffff;
	_ =	sdelay $0x4  }
0x25: {  	v6 =	vsub.s32 v5, v0  }
0x26: {  	v7 =	vadd.s32 v2, v6  }
0x27: {  	v5 =	vand.u32 $0x7F, v5;
	vm9 =	vlt.u32 v6, $0x280;
	v6 =	vand.u32 $0xFFFFFF80, v7  }
0x28: {  	v5 =	vor.u32 v5, v6;
	_ =	sdelay $0x4  }
0x29: {  	[tilespmem:v5+s2+$0x0] =	vst.idx.add.f32.msk vm9, v3  }
0x2a: {  	v5 =	vld.idx.msk [tilespmem:v4+s16+$0xFFFFFFE0 ss:$0x1], $0xffff;
	_ =	sdelay $0x4  }
0x2b: {  	v6 =	vsub.s32 v5, v0  }
0x2c: {  	v7 =	vadd.s32 v2, v6  }
0x2d: {  	v5 =	vand.u32 $0x7F, v5;
	vm10 =	vlt.u32 v6, $0x280;
	v6 =	vand.u32 $0xFFFFFF80, v7  }
0x2e: {  	v5 =	vor.u32 v5, v6;
	_ =	sdelay $0x4  }
0x2f: {  	[tilespmem:v5+s2+$0x0] =	vst.idx.add.f32.msk vm10, v3  }
0x30: {  	v5 =	vld.idx.msk [tilespmem:v4+s16+$0xFFFFFFF0 ss:$0x1], $0xffff;
	_ =	sdelay $0x4  }
0x31: {  	v6 =	vsub.s32 v5, v0  }
0x32: {  	v7 =	vadd.s32 v2, v6  }
0x33: {  	v5 =	vand.u32 $0x7F, v5;
	vm11 =	vlt.u32 v6, $0x280;
	v6 =	vand.u32 $0xFFFFFF80, v7  }
0x34: {  	v5 =	vor.u32 v5, v6;
	_ =	sdelay $0x4  }
0x35: {  	[tilespmem:v5+s2+$0x0] =	vst.idx.add.f32.msk vm11, v3  }
0x36: {  	v5 =	vld.idx.msk [tilespmem:v4+s16+$0x0 ss:$0x1], $0xffff;
	_ =	sdelay $0x4  }
0x37: {  	v6 =	vsub.s32 v5, v0  }
0x38: {  	v7 =	vadd.s32 v2, v6  }
0x39: {  	v5 =	vand.u32 $0x7F, v5;
	vm12 =	vlt.u32 v6, $0x280;
	v6 =	vand.u32 $0xFFFFFF80, v7  }
0x3a: {  	v5 =	vor.u32 v5, v6;
	_ =	sdelay $0x4  }
0x3b: {  	[tilespmem:v5+s2+$0x0] =	vst.idx.add.f32.msk vm12, v3  }
0x3c: {  	v5 =	vld.idx.msk [tilespmem:v4+s16+$0x10 ss:$0x1], $0xffff;
	_ =	sdelay $0x4  }
0x3d: {  	v6 =	vsub.s32 v5, v0  }
0x3e: {  	v7 =	vadd.s32 v2, v6  }
0x3f: {  	v5 =	vand.u32 $0x7F, v5;
	vm13 =	vlt.u32 v6, $0x280;
	v6 =	vand.u32 $0xFFFFFF80, v7  }
0x40: {  	v5 =	vor.u32 v5, v6;
	_ =	sdelay $0x4  }
0x41: {  	[tilespmem:v5+s2+$0x0] =	vst.idx.add.f32.msk vm13, v3  }
0x42: {  	v5 =	vld.idx.msk [tilespmem:v4+s16+$0x20 ss:$0x1], $0xffff;
	_ =	sdelay $0x4  }
0x43: {  	v6 =	vsub.s32 v5, v0  }
0x44: {  	v7 =	vadd.s32 v2, v6  }
0x45: {  	v5 =	vand.u32 $0x7F, v5;
	vm14 =	vlt.u32 v6, $0x280;
	v6 =	vand.u32 $0xFFFFFF80, v7  }
0x46: {  	v5 =	vor.u32 v5, v6;
	_ =	sdelay $0x4  }
0x47: {  	[tilespmem:v5+s2+$0x0] =	vst.idx.add.f32.msk vm14, v3  }
0x48: {  	v5 =	vld.idx.msk [tilespmem:v4+s16+$0x30 ss:$0x1], $0xffff;
	_ =	sdelay $0x4  }
0x49: {  	v6 =	vsub.s32 v5, v0  }
0x4a: {  	v7 =	vadd.s32 v2, v6  }
0x4b: {  	v5 =	vand.u32 $0x7F, v5;
	vm15 =	vlt.u32 v6, $0x280;
	v6 =	vand.u32 $0xFFFFFF80, v7  }
0x4c: {  	p1 =	seq.s32 s15, $0x9E00;
	v5 =	vor.u32 v5, v6  }
.Ltmp1:
0x4d: {  	_ = 	snop;
	(pc) =	sbr.rel @!p1 .LBB2_5-.Ltmp1, $2  }
0x4e: {  	_ =	sdelay $0x2  }
0x4f: {  	s15 =	sadd.s32 $0x200, s15;
	[tilespmem:v5+s2+$0x0] =	vst.idx.add.f32.msk vm15, v3  }
0x50: {  	p1 =	seq.s32 s14, $0x10  }
.Ltmp2:
0x51: {  	_ = 	snop;
	(pc) =	sbr.rel @!p1 .LBB2_4-.Ltmp2, $2  }
0x52: {  	_ =	sdelay $0x2  }
0x53: {  	p0 =	por !p0, !p0  }
0x54: {  	s15 =	simm.s32 $0x0  }
0x55: {  	s16 =	sand.u32 $0x3F0, s15;
	v5 =	vld [tilespmem:s15+$0x0]  }
0x56: {  	v4 =	vld [tilespmem:s16+$0x280];
	_ =	sdelay $0x1  }
0x57: {  	v6 =	vld [tilespmem:s16+$0x500];
	_ =	sdelay $0x1  }
0x58: {  	v7 =	vld [tilespmem:s16+$0x780]  }
0x59: {  	v4 =	vadd.f32 v4, v5  }
0x5a: {  	v5 =	vld [tilespmem:s16+$0xA00]  }
0x5b: {  	v4 =	vadd.f32 v6, v4  }
0x5c: {  	v6 =	vld [tilespmem:s16+$0xC80]  }
0x5d: {  	v4 =	vadd.f32 v7, v4  }
0x5e: {  	v7 =	vld [tilespmem:s16+$0xF00]  }
0x5f: {  	v4 =	vadd.f32 v5, v4  }
0x60: {  	v5 =	vld [tilespmem:s16+$0x1180]  }
0x61: {  	v4 =	vadd.f32 v6, v4  }
0x62: {  	v6 =	vld [tilespmem:s16+$0x1400]  }
0x63: {  	v4 =	vadd.f32 v7, v4  }
0x64: {  	v7 =	vld [tilespmem:s16+$0x1680]  }
0x65: {  	v4 =	vadd.f32 v5, v4  }
0x66: {  	v5 =	vld [tilespmem:s16+$0x1900]  }
0x67: {  	v4 =	vadd.f32 v6, v4  }
0x68: {  	v6 =	vld [tilespmem:s16+$0x1B80]  }
0x69: {  	v4 =	vadd.f32 v7, v4  }
0x6a: {  	v7 =	vld [tilespmem:s16+$0x1E00]  }
0x6b: {  	v4 =	vadd.f32 v5, v4  }
0x6c: {  	v5 =	vld [tilespmem:s16+$0x2080]  }
0x6d: {  	v4 =	vadd.f32 v6, v4  }
0x6e: {  	v6 =	vld [tilespmem:s16+$0x2300]  }
0x6f: {  	v4 =	vadd.f32 v7, v4  }
0x70: {  	v7 =	vld [tilespmem:s16+$0x2580]  }
0x71: {  	v4 =	vadd.f32 v5, v4;
	_ =	sdelay $0x1  }
0x72: {  	v4 =	vadd.f32 v6, v4;
	_ =	sdelay $0x1  }
0x73: {  	v4 =	vadd.f32 v7, v4  }
0x74: {  	s14 =	simm.s32 $0x2800;
	s16 =	simm.s32 $0x10  }
0x75: {  	s15 =	sand.u32 $0x3F0, s16;
	[tilespmem:s14+$0x0] =	vst v4  }
0x76: {  	s17 =	simm.s32 $0x20;
	v4 =	vld [tilespmem:s15+$0x280]  }
.LBB2_8:
0x77: {  	p0 =	sne.s32 s17, $0x270;
	v5 =	vld [tilespmem:s16+$0x0];
	_ =	sdelay $0x1  }
0x78: {  	v6 =	vld [tilespmem:s15+$0x500];
	_ =	sdelay $0x1  }
0x79: {  	v7 =	vld [tilespmem:s15+$0x780]  }
0x7a: {  	v4 =	vadd.f32 v4, v5  }
0x7b: {  	v5 =	vld [tilespmem:s15+$0xA00]  }
0x7c: {  	v4 =	vadd.f32 v6, v4  }
0x7d: {  	v6 =	vld [tilespmem:s15+$0xC80]  }
0x7e: {  	v4 =	vadd.f32 v7, v4  }
0x7f: {  	v7 =	vld [tilespmem:s15+$0xF00]  }
0x80: {  	v4 =	vadd.f32 v5, v4  }
0x81: {  	v5 =	vld [tilespmem:s15+$0x1180]  }
0x82: {  	v4 =	vadd.f32 v6, v4  }
0x83: {  	v6 =	vld [tilespmem:s15+$0x1400]  }
0x84: {  	v4 =	vadd.f32 v7, v4  }
0x85: {  	v7 =	vld [tilespmem:s15+$0x1680]  }
0x86: {  	v4 =	vadd.f32 v5, v4  }
0x87: {  	v5 =	vld [tilespmem:s15+$0x1900]  }
0x88: {  	v4 =	vadd.f32 v6, v4  }
0x89: {  	v6 =	vld [tilespmem:s15+$0x1B80]  }
0x8a: {  	v4 =	vadd.f32 v7, v4  }
0x8b: {  	v7 =	vld [tilespmem:s15+$0x1E00]  }
0x8c: {  	v4 =	vadd.f32 v5, v4  }
0x8d: {  	v5 =	vld [tilespmem:s15+$0x2080]  }
0x8e: {  	v4 =	vadd.f32 v6, v4  }
0x8f: {  	v6 =	vld [tilespmem:s15+$0x2300]  }
0x90: {  	v4 =	vadd.f32 v7, v4  }
0x91: {  	v7 =	vld [tilespmem:s15+$0x2580]  }
0x92: {  	v4 =	vadd.f32 v5, v4;
	_ =	sdelay $0x1  }
0x93: {  	v4 =	vadd.f32 v6, v4  }
.Ltmp3:
0x94: {  	(pc) =	sbr.rel @p0 .LBB2_8-.Ltmp3, $4  }
0x95: {  	v4 =	vadd.f32 v7, v4  }
0x96: {  	s14 =	sadd.s32 $0x10, s14  }
0x97: {  	s15 =	sand.u32 $0x3F0, s17;
	[tilespmem:s14+$0x0] =	vst v4  }
0x98: {  	s16 =	sadd.s32 $0x10, s16;
	s17 =	sadd.s32 $0x10, s17;
	v4 =	vld [tilespmem:s15+$0x280]  }
0x99: {  	v5 =	vld [tilespmem:s16+$0x0];
	_ =	sdelay $0x1  }
0x9a: {  	v6 =	vld [tilespmem:s15+$0x500];
	_ =	sdelay $0x1  }
0x9b: {  	v7 =	vld [tilespmem:s15+$0x780]  }
0x9c: {  	v4 =	vadd.f32 v4, v5  }
0x9d: {  	v5 =	vld [tilespmem:s15+$0xA00]  }
0x9e: {  	v4 =	vadd.f32 v6, v4  }
0x9f: {  	v56 =	vld [tilespmem:s15+$0xC80]  }
0xa0: {  	v4 =	vadd.f32 v7, v4  }
0xa1: {  	v57 =	vld [tilespmem:s15+$0xF00]  }
0xa2: {  	v4 =	vadd.f32 v5, v4  }
0xa3: {  	v5 =	vld [tilespmem:s15+$0x1180]  }
0xa4: {  	v4 =	vadd.f32 v56, v4  }
0xa5: {  	v58 =	vld [tilespmem:s15+$0x1400]  }
0xa6: {  	v4 =	vadd.f32 v57, v4  }
0xa7: {  	v59 =	vld [tilespmem:s15+$0x1680]  }
0xa8: {  	v4 =	vadd.f32 v5, v4  }
0xa9: {  	v5 =	vld [tilespmem:s15+$0x1900]  }
0xaa: {  	v4 =	vadd.f32 v58, v4  }
0xab: {  	v60 =	vld [tilespmem:s15+$0x1B80]  }
0xac: {  	v4 =	vadd.f32 v59, v4  }
0xad: {  	v61 =	vld [tilespmem:s15+$0x1E00]  }
0xae: {  	v4 =	vadd.f32 v5, v4  }
0xaf: {  	v5 =	vld [tilespmem:s15+$0x2080]  }
0xb0: {  	v4 =	vadd.f32 v60, v4  }
0xb1: {  	v62 =	vld [tilespmem:s15+$0x2300]  }
0xb2: {  	v4 =	vadd.f32 v61, v4  }
0xb3: {  	v63 =	vld [tilespmem:s15+$0x2580]  }
0xb4: {  	v4 =	vadd.f32 v5, v4;
	_ =	sdelay $0x1  }
0xb5: {  	v4 =	vadd.f32 v62, v4;
	_ =	sdelay $0x1  }
0xb6: {  	s13 =	sadd.s32 $0x1, s13;
	v4 =	vadd.f32 v63, v4  }
0xb7: {  	s14 =	sadd.s32 $0x10, s14;
	p0 =	sne.s32 s13, s7  }
.Ltmp4:
0xb8: {  	[tilespmem:s14+$0x0] =	vst v4;
	(pc) =	sbr.rel @p0 .LBB2_1-.Ltmp4, $4  }
0xb9: {  	[hbm4b:s6+s9] =	stream.strided.scatter [tilespmem:s11], [sflag:$0x3], $0x280, s10, s9, $0x38;
	[tilespmem:$0x7A80] =	vst v63  }
0xba: {  	_ =	swait.ge [sflag:s12], $0x280  }
0xbb: {  	[sflag:s12] =	ssyncset.done $0x0  }
0xbc: {  	[sflag:s12] =	ssyncadd.s32 $0xFFFFFD80  }
0xbd: {  	_ =	sfence.sel $0x180000  }
0xbe: {  	[bflag:$0x0] =	sbarrier.arrive $0xFFFF  }
0xbf: {  	p0 =	sne.s32 s1, $0x0;
	_ =	strace $0x90000047  }
0xc0: {  	s0 =	sadd.s32 @!p0 $0x100000, s0;
	[bflag:$0x2] =	sbarrier.arrive $0xFFFF  }
0xc1: {  	[sflag:s0] =	ssyncadd.tile.s32 @!p0 $0x1;
	_ =	shalt  }
.Lfunc_end2:
_tile_overlayer_lowered:
.L_overlay_start_2:
0xc2: {  	(tag) =	ssettag $0x2  }
0xc3: {  	s0 =	rddreg [dreg:$0x0];
	s2 =	stileid.u32  }
0xc4: {  	s1 =	rddreg [dreg:$0x1];
	p0 =	sne.s32 s2, $0x0  }
0xc5: {  	s3 =	rddreg [dreg:$0x2];
	[bflag:$0x3] =	sbarrier.arrive $0xFFFF;
	s2 =	simm.s32 @!p0 $0x1C03  }
0xc6: {  	[timem:s3], [sflag:s2] =	dma.local @!p0 [hbm:s0], s1  }
0xc7: {  	s0 =	simm.s32 @!p0 $0x3  }
0xc8: {  	_ =	swait.ge @!p0 [sflag:s0], s1  }
0xc9: {  	s1 =	ssub.s32 @!p0 $0x0, s1;
	[sflag:s0] =	ssyncset.done @!p0 $0x0  }
0xca: {  	[sflag:s0] =	ssyncadd.s32 @!p0 s1  }
0xcb: {  	[bflag:$0x3] =	sbarrier.arrive $0xFFFF  }
0xcc: {  	_ =	shalt  }

</sc_bundles>
